<compile_context>
chip_gen: v7x
topology: tpu7x:2x2x1
jax: 0.10.2.dev20260603
libtpu: 0.0.44.dev20260713+nightly
codegen_flags: <defaults>
</compile_context>

<pallas_src>
import functools

import jax
import jax.numpy as jnp
from jax import lax
from jax.experimental import pallas as pl
from jax.experimental.pallas import tpu as pltpu
from jax.experimental.pallas import tpu_sc as plsc

B = 1024
V = 100000
NC, NS, L = 2, 16, 16
NQ = 4
VS = V // NQ
CW = 200
NU = VS // CW
GB = 128
NGRP = GB // L


@functools.cache
def _build_head():
    mesh = plsc.VectorSubcoreMesh(core_axis_name="c", subcore_axis_name="s",
                                  num_cores=NC, num_subcores=NS)
    return functools.partial(
        pl.kernel,
        out_type=(jax.ShapeDtypeStruct((V, B), jnp.float32),
                  jax.ShapeDtypeStruct((B, 2), jnp.float32)),
        mesh=mesh,
        compiler_params=pltpu.CompilerParams(needs_layout_passes=False,
                                             use_tc_tiling_on_sc=True),
        scratch_types=[
            pltpu.VMEM((CW, GB), jnp.float32),
            pltpu.VMEM((CW, GB), jnp.float32),
            pltpu.VMEM((GB,), jnp.float32),
            pltpu.VMEM((GB,), jnp.int32),
            pltpu.VMEM((NQ, GB), jnp.float32),
            pltpu.VMEM((NQ, GB), jnp.int32),
            pltpu.VMEM((GB,), jnp.int32),
            pltpu.VMEM((GB, 128), jnp.float32),
            pltpu.VMEM((GB, 2), jnp.float32),
            pltpu.VMEM_SHARED((NS, GB), jnp.float32),
            pltpu.VMEM_SHARED((NS, GB), jnp.int32),
            pltpu.SemaphoreType.DMA,
            pltpu.SemaphoreType.DMA,
            pltpu.SemaphoreType.DMA,
            pltpu.SemaphoreType.DMA,
        ],
    )(_head_body)


def _head_body(xT_hbm, gps_hbm, xout_hbm, out_hbm, buf0, buf1, myv, myi,
               mv, mi, gidx, growbuf, gout, shv, shi,
               isem0, isem1, wsem0, wsem1):
    cid = lax.axis_index("c")
    sid = lax.axis_index("s")
    p = sid % NQ
    q = cid * NQ + sid // NQ
    v0 = p * VS
    b0 = q * GB
    lane = lax.iota(jnp.int32, L)

    bufs = (buf0, buf1)
    isems = (isem0, isem1)
    wsems = (wsem0, wsem1)

    def dma_in(u, j):
        return pltpu.make_async_copy(
            xT_hbm.at[pl.ds(v0 + u * CW, CW), pl.ds(b0, GB)],
            bufs[j], isems[j])

    def dma_out(u, j):
        return pltpu.make_async_copy(
            bufs[j],
            xout_hbm.at[pl.ds(v0 + u * CW, CW), pl.ds(b0, GB)],
            wsems[j])

    neg = jnp.full((L,), -jnp.inf, jnp.float32)
    zero = jnp.zeros((L,), jnp.int32)

    def scan_chunk(buf, u, acc):
        def body(k2, a):
            out = list(a)
            for kk in range(2):
                k = k2 * 2 + kk
                iv = jnp.full((L,), u * CW + k, jnp.int32)
                nxt = []
                for g in range(NGRP):
                    v, t = out[g]
                    xv = buf[k, pl.ds(g * L, L)]
                    m = xv > v
                    nxt.append((jnp.where(m, xv, v), jnp.where(m, iv, t)))
                out = nxt
            return tuple(out)

        return lax.fori_loop(0, CW // 2, body, acc)

    def unit(u, j, acc):
        dma_in(u, j).wait()
        dma_out(u, j).start()
        acc = scan_chunk(bufs[j], u, acc)

        @pl.when(u + 2 < NU)
        def _roll():
            dma_out(u, j).wait()
            dma_in(u + 2, j).start()

        return acc

    dma_in(0, 0).start()
    dma_in(1, 1).start()

    def pair_body(i, acc):
        acc = unit(2 * i, 0, acc)
        acc = unit(2 * i + 1, 1, acc)
        return acc

    acc = lax.fori_loop(0, (NU - 1) // 2, pair_body,
                        ((neg, zero),) * NGRP)
    acc = unit(NU - 1, (NU - 1) % 2, acc)
    dma_out(NU - 2, (NU - 2) % 2).wait()
    dma_out(NU - 1, (NU - 1) % 2).wait()

    for g in range(NGRP):
        v, t = acc[g]
        myv[pl.ds(g * L, L)] = v
        myi[pl.ds(g * L, L)] = t + jnp.full((L,), v0, jnp.int32)
    pltpu.sync_copy(myv, shv.at[sid])
    pltpu.sync_copy(myi, shi.at[sid])
    plsc.subcore_barrier()

    @pl.when(p == 0)
    def _finish():
        pltpu.sync_copy(shv.at[pl.ds(sid, NQ)], mv)
        pltpu.sync_copy(shi.at[pl.ds(sid, NQ)], mi)
        for g in range(NGRP):
            bv = mv[0, pl.ds(g * L, L)]
            bi = mi[0, pl.ds(g * L, L)]
            for w in range(1, NQ):
                v = mv[w, pl.ds(g * L, L)]
                i = mi[w, pl.ds(g * L, L)]
                take = (v > bv) | ((v == bv) & (i < bi))
                bv = jnp.where(take, v, bv)
                bi = jnp.where(take, i, bi)
            gidx[pl.ds(g * L, L)] = bi

        pltpu.sync_copy(gps_hbm.at[gidx], growbuf)
        ones_b = jnp.full((L,), True)
        zero_i = jnp.zeros((L,), jnp.int32)
        one_i = jnp.full((L,), 1, jnp.int32)
        for g in range(NGRP):
            rvec = lane + jnp.full((L,), g * L, jnp.int32)
            lat = plsc.load_gather(growbuf, [rvec, zero_i])
            lon = plsc.load_gather(growbuf, [rvec, one_i])
            plsc.store_scatter(gout, [rvec, zero_i], lat, mask=ones_b)
            plsc.store_scatter(gout, [rvec, one_i], lon, mask=ones_b)
        pltpu.sync_copy(gout, out_hbm.at[pl.ds(b0, GB)])


def kernel(x, gps_table):
    xT = jnp.transpose(x)
    g128 = jnp.pad(gps_table, ((0, 0), (0, 126)))
    xTo, gps = _build_head()(xT, g128)
    return (jnp.transpose(xTo), gps)

# --- scband reference (transcript-rebuilt; emitter-appended) ---
"""Pipeline reference for scband-classification-head-68762426409008 (READ-ONLY COPY).

The authoritative reference and input builder live on the scoring server;
editing this copy changes nothing except your own understanding.
"""

import jax, jax.numpy as jnp
import numpy as np

def setup_inputs(seed: int = 0) -> dict:
    key = jax.random.key(seed)
    k1, k2 = jax.random.split(key)
    x = jax.random.normal(k1, (1024, 100000), dtype=jnp.float32)
    gps_table = jax.random.normal(k2, (100000, 2), dtype=jnp.float32)
    return {"x": x, "gps_table": gps_table}

def reference(x, gps_table):
    # ClassificationHead.forward: ids = x.argmax(dim=-1); gps = id_to_gps(ids)
    ids = jnp.argmax(x, axis=-1)
    gps = jnp.take(gps_table, ids, axis=0)
    # original returns {'label': x, **gps}; here we return (label, gps) as a tuple
    return (x, gps)

if __name__ == "__main__":
    import jax
    _d = setup_inputs()
    print(jax.jit(kernel)(*tuple(_d.values())))

</pallas_src>

<mosaic_0001>
#map = affine_map<(d0, d1) -> (0, 0)>
module attributes {stable_mosaic.version = 14 : i64} {
  func.func @_head_body(%arg0: i32, %arg1: i32, %arg2: memref<100000x1024xf32, #tpu.memory_space<hbm>>, %arg3: memref<100000x128xf32, #tpu.memory_space<hbm>>, %arg4: memref<100000x1024xf32, #tpu.memory_space<hbm>>, %arg5: memref<1024x2xf32, #tpu.memory_space<hbm>>, %arg6: memref<200x128xf32, #tpu.memory_space<vmem>>, %arg7: memref<200x128xf32, #tpu.memory_space<vmem>>, %arg8: memref<128xf32, #tpu.memory_space<vmem>>, %arg9: memref<128xi32, #tpu.memory_space<vmem>>, %arg10: memref<4x128xf32, #tpu.memory_space<vmem>>, %arg11: memref<4x128xi32, #tpu.memory_space<vmem>>, %arg12: memref<128xi32, #tpu.memory_space<vmem>>, %arg13: memref<128x128xf32, #tpu.memory_space<vmem>>, %arg14: memref<128x2xf32, #tpu.memory_space<vmem>>, %arg15: memref<16x128xf32, #tpu.memory_space<vmem_shared>>, %arg16: memref<16x128xi32, #tpu.memory_space<vmem_shared>>, %arg17: memref<!tpu.dma_semaphore, #tpu.memory_space<semaphore_mem>>, %arg18: memref<!tpu.dma_semaphore, #tpu.memory_space<semaphore_mem>>, %arg19: memref<!tpu.dma_semaphore, #tpu.memory_space<semaphore_mem>>, %arg20: memref<!tpu.dma_semaphore, #tpu.memory_space<semaphore_mem>>) attributes {dimension_semantics = [#tpu.dimension_semantics<core_parallel>, #tpu.dimension_semantics<subcore_parallel>], iteration_bounds = array<i64: 2, 16>, scalar_prefetch = 0 : i64, scratch_operands = 15 : i64, tpu.core_type = #tpu.core_type<sc_vector_subcore>, window_params = [{transform_indices = #map}, {transform_indices = #map}, {transform_indices = #map}, {transform_indices = #map}]} {
    %jit3A = arith.constant 4 : i32
    %eq3A = arith.constant 0 : i32
    %eq3A_0 = arith.cmpi eq, %jit3A, %eq3A : i32
    %jit3A_1 = arith.constant 1 : i32
    %select_n3A = arith.select %eq3A_0, %jit3A_1, %jit3A : i32
    %rem3A = arith.remsi %arg1, %select_n3A : i32
    %ne3A = arith.constant 0 : i32
    %ne3A_2 = arith.cmpi ne, %rem3A, %ne3A : i32
    %lt3A = arith.constant 0 : i32
    %lt3A_3 = arith.cmpi slt, %rem3A, %lt3A : i32
    %lt3A_4 = arith.constant 0 : i32
    %lt3A_5 = arith.cmpi slt, %select_n3A, %lt3A_4 : i32
    %ne3A_6 = arith.xori %lt3A_3, %lt3A_5 : i1
    %and3A = arith.andi %ne3A_6, %ne3A_2 : i1
    %add3A = arith.addi %rem3A, %select_n3A : i32
    %select_n3A_7 = arith.select %and3A, %add3A, %rem3A : i32
    %mul3A = arith.constant 4 : i32
    %mul3A_8 = arith.muli %arg0, %mul3A : i32
    %jit3A_9 = arith.constant 4 : i32
    %div3A = arith.divsi %arg1, %jit3A_9 : i32
    %sign3A = arith.constant 0 : i32
    %sign3A_10 = arith.cmpi sgt, %arg1, %sign3A : i32
    %sign3A_11 = arith.extui %sign3A_10 : i1 to i32
    %sign3A_12 = arith.constant 0 : i32
    %sign3A_13 = arith.cmpi slt, %arg1, %sign3A_12 : i32
    %sign3A_14 = arith.extui %sign3A_13 : i1 to i32
    %sign3A_15 = arith.subi %sign3A_11, %sign3A_14 : i32
    %sign3A_16 = arith.constant 0 : i32
    %sign3A_17 = arith.cmpi sgt, %jit3A_9, %sign3A_16 : i32
    %sign3A_18 = arith.extui %sign3A_17 : i1 to i32
    %sign3A_19 = arith.constant 0 : i32
    %sign3A_20 = arith.cmpi slt, %jit3A_9, %sign3A_19 : i32
    %sign3A_21 = arith.extui %sign3A_20 : i1 to i32
    %sign3A_22 = arith.subi %sign3A_18, %sign3A_21 : i32
    %ne3A_23 = arith.cmpi ne, %sign3A_15, %sign3A_22 : i32
    %rem3A_24 = arith.remsi %arg1, %jit3A_9 : i32
    %ne3A_25 = arith.constant 0 : i32
    %ne3A_26 = arith.cmpi ne, %rem3A_24, %ne3A_25 : i32
    %and3A_27 = arith.andi %ne3A_23, %ne3A_26 : i1
    %sub3A = arith.constant 1 : i32
    %sub3A_28 = arith.subi %div3A, %sub3A : i32
    %select_n3A_29 = arith.select %and3A_27, %sub3A_28, %div3A : i32
    %add3A_30 = arith.addi %mul3A_8, %select_n3A_29 : i32
    %mul3A_31 = arith.constant 25000 : i32
    %mul3A_32 = arith.muli %select_n3A_7, %mul3A_31 : i32
    %mul3A_33 = arith.constant 128 : i32
    %mul3A_34 = arith.muli %add3A_30, %mul3A_33 : i32
    %iota3A = tpu.iota {dimensions = array<i32: 0>} : vector<16xi32>
    %broadcast_in_dim3A = arith.constant 0xFF800000 : f32
    %broadcast_in_dim3A_35 = vector.broadcast %broadcast_in_dim3A : f32 to vector<16xf32>
    %broadcast_in_dim3A_36 = arith.constant 0 : i32
    %broadcast_in_dim3A_37 = vector.broadcast %broadcast_in_dim3A_36 : i32 to vector<16xi32>
    %add3A_38 = arith.constant 0 : i32
    %add3A_39 = arith.addi %mul3A_32, %add3A_38 : i32
    %dma_start3A = tpu.memref_slice %arg2[%add3A_39, %mul3A_34] : memref<100000x1024xf32, #tpu.memory_space<hbm>> -> memref<200x128xf32, #tpu.memory_space<hbm>>
    %dma_start3A_40 = tpu.memref_slice %arg2[%add3A_39, %mul3A_34] : memref<100000x1024xf32, #tpu.memory_space<hbm>> -> memref<200x128xf32, #tpu.memory_space<hbm>>
    tpu.enqueue_dma source(%dma_start3A_40 : memref<200x128xf32, #tpu.memory_space<hbm>>) target(%arg6 : memref<200x128xf32, #tpu.memory_space<vmem>>) target_semaphore(%arg17 : memref<!tpu.dma_semaphore, #tpu.memory_space<semaphore_mem>>)
    %add3A_41 = arith.constant 200 : i32
    %add3A_42 = arith.addi %mul3A_32, %add3A_41 : i32
    %dma_start3A_43 = tpu.memref_slice %arg2[%add3A_42, %mul3A_34] : memref<100000x1024xf32, #tpu.memory_space<hbm>> -> memref<200x128xf32, #tpu.memory_space<hbm>>
    %dma_start3A_44 = tpu.memref_slice %arg2[%add3A_42, %mul3A_34] : memref<100000x1024xf32, #tpu.memory_space<hbm>> -> memref<200x128xf32, #tpu.memory_space<hbm>>
    tpu.enqueue_dma source(%dma_start3A_44 : memref<200x128xf32, #tpu.memory_space<hbm>>) target(%arg7 : memref<200x128xf32, #tpu.memory_space<vmem>>) target_semaphore(%arg18 : memref<!tpu.dma_semaphore, #tpu.memory_space<semaphore_mem>>)
    %scan3A = arith.constant 0 : i32
    %scan3A_45 = arith.constant 62 : i32
    %scan3A_46 = arith.addi %scan3A, %scan3A_45 : i32
    %scan3A_47 = arith.constant 1 : i32
    %scan3A_48:16 = scf.for %scan3A_121 = %scan3A to %scan3A_46 step %scan3A_47 iter_args(%scan3A_122 = %broadcast_in_dim3A_35, %scan3A_123 = %broadcast_in_dim3A_37, %scan3A_124 = %broadcast_in_dim3A_35, %scan3A_125 = %broadcast_in_dim3A_37, %scan3A_126 = %broadcast_in_dim3A_35, %scan3A_127 = %broadcast_in_dim3A_37, %scan3A_128 = %broadcast_in_dim3A_35, %scan3A_129 = %broadcast_in_dim3A_37, %scan3A_130 = %broadcast_in_dim3A_35, %scan3A_131 = %broadcast_in_dim3A_37, %scan3A_132 = %broadcast_in_dim3A_35, %scan3A_133 = %broadcast_in_dim3A_37, %scan3A_134 = %broadcast_in_dim3A_35, %scan3A_135 = %broadcast_in_dim3A_37, %scan3A_136 = %broadcast_in_dim3A_35, %scan3A_137 = %broadcast_in_dim3A_37) -> (vector<16xf32>, vector<16xi32>, vector<16xf32>, vector<16xi32>, vector<16xf32>, vector<16xi32>, vector<16xf32>, vector<16xi32>, vector<16xf32>, vector<16xi32>, vector<16xf32>, vector<16xi32>, vector<16xf32>, vector<16xi32>, vector<16xf32>, vector<16xi32>)  : i32 {
      %mul3A_138 = arith.constant 2 : i32
      %mul3A_139 = arith.muli %mul3A_138, %scan3A_121 : i32
      %mul3A_140 = arith.constant 200 : i32
      %mul3A_141 = arith.muli %mul3A_139, %mul3A_140 : i32
      %add3A_142 = arith.addi %mul3A_32, %mul3A_141 : i32
      %dma_wait3A_143 = tpu.memref_slice %arg2[%add3A_142, %mul3A_34] : memref<100000x1024xf32, #tpu.memory_space<hbm>> -> memref<200x128xf32, #tpu.memory_space<hbm>>
      %dma_wait3A_144 = tpu.memref_slice %arg2[%add3A_142, %mul3A_34] : memref<100000x1024xf32, #tpu.memory_space<hbm>> -> memref<200x128xf32, #tpu.memory_space<hbm>>
      tpu.wait_dma2 semaphore(%arg17 : memref<!tpu.dma_semaphore, #tpu.memory_space<semaphore_mem>>) src(%dma_wait3A_144 : memref<200x128xf32, #tpu.memory_space<hbm>>) dst(%arg6 : memref<200x128xf32, #tpu.memory_space<vmem>>)
      %mul3A_145 = arith.constant 200 : i32
      %mul3A_146 = arith.muli %mul3A_139, %mul3A_145 : i32
      %add3A_147 = arith.addi %mul3A_32, %mul3A_146 : i32
      %dma_start3A_148 = tpu.memref_slice %arg4[%add3A_147, %mul3A_34] : memref<100000x1024xf32, #tpu.memory_space<hbm>> -> memref<200x128xf32, #tpu.memory_space<hbm>>
      %dma_start3A_149 = tpu.memref_slice %arg4[%add3A_147, %mul3A_34] : memref<100000x1024xf32, #tpu.memory_space<hbm>> -> memref<200x128xf32, #tpu.memory_space<hbm>>
      tpu.enqueue_dma source(%arg6 : memref<200x128xf32, #tpu.memory_space<vmem>>) target(%dma_start3A_149 : memref<200x128xf32, #tpu.memory_space<hbm>>) target_semaphore(%arg19 : memref<!tpu.dma_semaphore, #tpu.memory_space<semaphore_mem>>)
      %scan3A_150 = arith.constant 0 : i32
      %scan3A_151 = arith.constant 100 : i32
      %scan3A_152 = arith.addi %scan3A_150, %scan3A_151 : i32
      %scan3A_153 = arith.constant 1 : i32
      %scan3A_154:16 = scf.for %scan3A_190 = %scan3A_150 to %scan3A_152 step %scan3A_153 iter_args(%scan3A_191 = %scan3A_122, %scan3A_192 = %scan3A_123, %scan3A_193 = %scan3A_124, %scan3A_194 = %scan3A_125, %scan3A_195 = %scan3A_126, %scan3A_196 = %scan3A_127, %scan3A_197 = %scan3A_128, %scan3A_198 = %scan3A_129, %scan3A_199 = %scan3A_130, %scan3A_200 = %scan3A_131, %scan3A_201 = %scan3A_132, %scan3A_202 = %scan3A_133, %scan3A_203 = %scan3A_134, %scan3A_204 = %scan3A_135, %scan3A_205 = %scan3A_136, %scan3A_206 = %scan3A_137) -> (vector<16xf32>, vector<16xi32>, vector<16xf32>, vector<16xi32>, vector<16xf32>, vector<16xi32>, vector<16xf32>, vector<16xi32>, vector<16xf32>, vector<16xi32>, vector<16xf32>, vector<16xi32>, vector<16xf32>, vector<16xi32>, vector<16xf32>, vector<16xi32>)  : i32 {
        %mul3A_207 = arith.constant 2 : i32
        %mul3A_208 = arith.muli %scan3A_190, %mul3A_207 : i32
        %add3A_209 = arith.constant 0 : i32
        %add3A_210 = arith.addi %mul3A_208, %add3A_209 : i32
        %mul3A_211 = arith.constant 200 : i32
        %mul3A_212 = arith.muli %mul3A_139, %mul3A_211 : i32
        %add3A_213 = arith.addi %mul3A_212, %add3A_210 : i32
        %broadcast_in_dim3A_214 = vector.broadcast %add3A_213 : i32 to vector<16xi32>
        %get3A = arith.index_cast %add3A_210 : i32 to index
        %get3A_215 = arith.constant 0 : index
        %get3A_216 = tpu.vector_load %arg6[%get3A, %get3A_215] {strides = array<i32>} : memref<200x128xf32, #tpu.memory_space<vmem>>, vector<16xf32>,
        %gt3A = arith.cmpf ogt, %get3A_216, %scan3A_191 : vector<16xf32>
        %select_n3A_217 = arith.select %gt3A, %get3A_216, %scan3A_191 : vector<16xi1>, vector<16xf32>
        %select_n3A_218 = arith.select %gt3A, %broadcast_in_dim3A_214, %scan3A_192 : vector<16xi1>, vector<16xi32>
        %get3A_219 = arith.index_cast %add3A_210 : i32 to index
        %get3A_220 = arith.constant 16 : index
        %get3A_221 = tpu.vector_load %arg6[%get3A_219, %get3A_220] {strides = array<i32>} : memref<200x128xf32, #tpu.memory_space<vmem>>, vector<16xf32>,
        %gt3A_222 = arith.cmpf ogt, %get3A_221, %scan3A_193 : vector<16xf32>
        %select_n3A_223 = arith.select %gt3A_222, %get3A_221, %scan3A_193 : vector<16xi1>, vector<16xf32>
        %select_n3A_224 = arith.select %gt3A_222, %broadcast_in_dim3A_214, %scan3A_194 : vector<16xi1>, vector<16xi32>
        %get3A_225 = arith.index_cast %add3A_210 : i32 to index
        %get3A_226 = arith.constant 32 : index
        %get3A_227 = tpu.vector_load %arg6[%get3A_225, %get3A_226] {strides = array<i32>} : memref<200x128xf32, #tpu.memory_space<vmem>>, vector<16xf32>,
        %gt3A_228 = arith.cmpf ogt, %get3A_227, %scan3A_195 : vector<16xf32>
        %select_n3A_229 = arith.select %gt3A_228, %get3A_227, %scan3A_195 : vector<16xi1>, vector<16xf32>
        %select_n3A_230 = arith.select %gt3A_228, %broadcast_in_dim3A_214, %scan3A_196 : vector<16xi1>, vector<16xi32>
        %get3A_231 = arith.index_cast %add3A_210 : i32 to index
        %get3A_232 = arith.constant 48 : index
        %get3A_233 = tpu.vector_load %arg6[%get3A_231, %get3A_232] {strides = array<i32>} : memref<200x128xf32, #tpu.memory_space<vmem>>, vector<16xf32>,
        %gt3A_234 = arith.cmpf ogt, %get3A_233, %scan3A_197 : vector<16xf32>
        %select_n3A_235 = arith.select %gt3A_234, %get3A_233, %scan3A_197 : vector<16xi1>, vector<16xf32>
        %select_n3A_236 = arith.select %gt3A_234, %broadcast_in_dim3A_214, %scan3A_198 : vector<16xi1>, vector<16xi32>
        %get3A_237 = arith.index_cast %add3A_210 : i32 to index
        %get3A_238 = arith.constant 64 : index
        %get3A_239 = tpu.vector_load %arg6[%get3A_237, %get3A_238] {strides = array<i32>} : memref<200x128xf32, #tpu.memory_space<vmem>>, vector<16xf32>,
        %gt3A_240 = arith.cmpf ogt, %get3A_239, %scan3A_199 : vector<16xf32>
        %select_n3A_241 = arith.select %gt3A_240, %get3A_239, %scan3A_199 : vector<16xi1>, vector<16xf32>
        %select_n3A_242 = arith.select %gt3A_240, %broadcast_in_dim3A_214, %scan3A_200 : vector<16xi1>, vector<16xi32>
        %get3A_243 = arith.index_cast %add3A_210 : i32 to index
        %get3A_244 = arith.constant 80 : index
        %get3A_245 = tpu.vector_load %arg6[%get3A_243, %get3A_244] {strides = array<i32>} : memref<200x128xf32, #tpu.memory_space<vmem>>, vector<16xf32>,
        %gt3A_246 = arith.cmpf ogt, %get3A_245, %scan3A_201 : vector<16xf32>
        %select_n3A_247 = arith.select %gt3A_246, %get3A_245, %scan3A_201 : vector<16xi1>, vector<16xf32>
        %select_n3A_248 = arith.select %gt3A_246, %broadcast_in_dim3A_214, %scan3A_202 : vector<16xi1>, vector<16xi32>
        %get3A_249 = arith.index_cast %add3A_210 : i32 to index
        %get3A_250 = arith.constant 96 : index
        %get3A_251 = tpu.vector_load %arg6[%get3A_249, %get3A_250] {strides = array<i32>} : memref<200x128xf32, #tpu.memory_space<vmem>>, vector<16xf32>,
        %gt3A_252 = arith.cmpf ogt, %get3A_251, %scan3A_203 : vector<16xf32>
        %select_n3A_253 = arith.select %gt3A_252, %get3A_251, %scan3A_203 : vector<16xi1>, vector<16xf32>
        %select_n3A_254 = arith.select %gt3A_252, %broadcast_in_dim3A_214, %scan3A_204 : vector<16xi1>, vector<16xi32>
        %get3A_255 = arith.index_cast %add3A_210 : i32 to index
        %get3A_256 = arith.constant 112 : index
        %get3A_257 = tpu.vector_load %arg6[%get3A_255, %get3A_256] {strides = array<i32>} : memref<200x128xf32, #tpu.memory_space<vmem>>, vector<16xf32>,
        %gt3A_258 = arith.cmpf ogt, %get3A_257, %scan3A_205 : vector<16xf32>
        %select_n3A_259 = arith.select %gt3A_258, %get3A_257, %scan3A_205 : vector<16xi1>, vector<16xf32>
        %select_n3A_260 = arith.select %gt3A_258, %broadcast_in_dim3A_214, %scan3A_206 : vector<16xi1>, vector<16xi32>
        %mul3A_261 = arith.constant 2 : i32
        %mul3A_262 = arith.muli %scan3A_190, %mul3A_261 : i32
        %add3A_263 = arith.constant 1 : i32
        %add3A_264 = arith.addi %mul3A_262, %add3A_263 : i32
        %mul3A_265 = arith.constant 200 : i32
        %mul3A_266 = arith.muli %mul3A_139, %mul3A_265 : i32
        %add3A_267 = arith.addi %mul3A_266, %add3A_264 : i32
        %broadcast_in_dim3A_268 = vector.broadcast %add3A_267 : i32 to vector<16xi32>
        %get3A_269 = arith.index_cast %add3A_264 : i32 to index
        %get3A_270 = arith.constant 0 : index
        %get3A_271 = tpu.vector_load %arg6[%get3A_269, %get3A_270] {strides = array<i32>} : memref<200x128xf32, #tpu.memory_space<vmem>>, vector<16xf32>,
        %gt3A_272 = arith.cmpf ogt, %get3A_271, %select_n3A_217 : vector<16xf32>
        %select_n3A_273 = arith.select %gt3A_272, %get3A_271, %select_n3A_217 : vector<16xi1>, vector<16xf32>
        %select_n3A_274 = arith.select %gt3A_272, %broadcast_in_dim3A_268, %select_n3A_218 : vector<16xi1>, vector<16xi32>
        %get3A_275 = arith.index_cast %add3A_264 : i32 to index
        %get3A_276 = arith.constant 16 : index
        %get3A_277 = tpu.vector_load %arg6[%get3A_275, %get3A_276] {strides = array<i32>} : memref<200x128xf32, #tpu.memory_space<vmem>>, vector<16xf32>,
        %gt3A_278 = arith.cmpf ogt, %get3A_277, %select_n3A_223 : vector<16xf32>
        %select_n3A_279 = arith.select %gt3A_278, %get3A_277, %select_n3A_223 : vector<16xi1>, vector<16xf32>
        %select_n3A_280 = arith.select %gt3A_278, %broadcast_in_dim3A_268, %select_n3A_224 : vector<16xi1>, vector<16xi32>
        %get3A_281 = arith.index_cast %add3A_264 : i32 to index
        %get3A_282 = arith.constant 32 : index
        %get3A_283 = tpu.vector_load %arg6[%get3A_281, %get3A_282] {strides = array<i32>} : memref<200x128xf32, #tpu.memory_space<vmem>>, vector<16xf32>,
        %gt3A_284 = arith.cmpf ogt, %get3A_283, %select_n3A_229 : vector<16xf32>
        %select_n3A_285 = arith.select %gt3A_284, %get3A_283, %select_n3A_229 : vector<16xi1>, vector<16xf32>
        %select_n3A_286 = arith.select %gt3A_284, %broadcast_in_dim3A_268, %select_n3A_230 : vector<16xi1>, vector<16xi32>
        %get3A_287 = arith.index_cast %add3A_264 : i32 to index
        %get3A_288 = arith.constant 48 : index
        %get3A_289 = tpu.vector_load %arg6[%get3A_287, %get3A_288] {strides = array<i32>} : memref<200x128xf32, #tpu.memory_space<vmem>>, vector<16xf32>,
        %gt3A_290 = arith.cmpf ogt, %get3A_289, %select_n3A_235 : vector<16xf32>
        %select_n3A_291 = arith.select %gt3A_290, %get3A_289, %select_n3A_235 : vector<16xi1>, vector<16xf32>
        %select_n3A_292 = arith.select %gt3A_290, %broadcast_in_dim3A_268, %select_n3A_236 : vector<16xi1>, vector<16xi32>
        %get3A_293 = arith.index_cast %add3A_264 : i32 to index
        %get3A_294 = arith.constant 64 : index
        %get3A_295 = tpu.vector_load %arg6[%get3A_293, %get3A_294] {strides = array<i32>} : memref<200x128xf32, #tpu.memory_space<vmem>>, vector<16xf32>,
        %gt3A_296 = arith.cmpf ogt, %get3A_295, %select_n3A_241 : vector<16xf32>
        %select_n3A_297 = arith.select %gt3A_296, %get3A_295, %select_n3A_241 : vector<16xi1>, vector<16xf32>
        %select_n3A_298 = arith.select %gt3A_296, %broadcast_in_dim3A_268, %select_n3A_242 : vector<16xi1>, vector<16xi32>
        %get3A_299 = arith.index_cast %add3A_264 : i32 to index
        %get3A_300 = arith.constant 80 : index
        %get3A_301 = tpu.vector_load %arg6[%get3A_299, %get3A_300] {strides = array<i32>} : memref<200x128xf32, #tpu.memory_space<vmem>>, vector<16xf32>,
        %gt3A_302 = arith.cmpf ogt, %get3A_301, %select_n3A_247 : vector<16xf32>
        %select_n3A_303 = arith.select %gt3A_302, %get3A_301, %select_n3A_247 : vector<16xi1>, vector<16xf32>
        %select_n3A_304 = arith.select %gt3A_302, %broadcast_in_dim3A_268, %select_n3A_248 : vector<16xi1>, vector<16xi32>
        %get3A_305 = arith.index_cast %add3A_264 : i32 to index
        %get3A_306 = arith.constant 96 : index
        %get3A_307 = tpu.vector_load %arg6[%get3A_305, %get3A_306] {strides = array<i32>} : memref<200x128xf32, #tpu.memory_space<vmem>>, vector<16xf32>,
        %gt3A_308 = arith.cmpf ogt, %get3A_307, %select_n3A_253 : vector<16xf32>
        %select_n3A_309 = arith.select %gt3A_308, %get3A_307, %select_n3A_253 : vector<16xi1>, vector<16xf32>
        %select_n3A_310 = arith.select %gt3A_308, %broadcast_in_dim3A_268, %select_n3A_254 : vector<16xi1>, vector<16xi32>
        %get3A_311 = arith.index_cast %add3A_264 : i32 to index
        %get3A_312 = arith.constant 112 : index
        %get3A_313 = tpu.vector_load %arg6[%get3A_311, %get3A_312] {strides = array<i32>} : memref<200x128xf32, #tpu.memory_space<vmem>>, vector<16xf32>,
        %gt3A_314 = arith.cmpf ogt, %get3A_313, %select_n3A_259 : vector<16xf32>
        %select_n3A_315 = arith.select %gt3A_314, %get3A_313, %select_n3A_259 : vector<16xi1>, vector<16xf32>
        %select_n3A_316 = arith.select %gt3A_314, %broadcast_in_dim3A_268, %select_n3A_260 : vector<16xi1>, vector<16xi32>
        scf.yield %select_n3A_273, %select_n3A_274, %select_n3A_279, %select_n3A_280, %select_n3A_285, %select_n3A_286, %select_n3A_291, %select_n3A_292, %select_n3A_297, %select_n3A_298, %select_n3A_303, %select_n3A_304, %select_n3A_309, %select_n3A_310, %select_n3A_315, %select_n3A_316 : vector<16xf32>, vector<16xi32>, vector<16xf32>, vector<16xi32>, vector<16xf32>, vector<16xi32>, vector<16xf32>, vector<16xi32>, vector<16xf32>, vector<16xi32>, vector<16xf32>, vector<16xi32>, vector<16xf32>, vector<16xi32>, vector<16xf32>, vector<16xi32>
      }
      %scan3A_155 = arith.constant 100 : i32
      %add3A_156 = arith.constant 2 : i32
      %add3A_157 = arith.addi %mul3A_139, %add3A_156 : i32
      %lt3A_158 = arith.constant 125 : i32
      %lt3A_159 = arith.cmpi slt, %add3A_157, %lt3A_158 : i32
      %convert_element_type3A_160 = arith.extui %lt3A_159 : i1 to i32
      %cond3A_161 = arith.constant 0 : i32
      %cond3A_162 = arith.cmpi ne, %convert_element_type3A_160, %cond3A_161 : i32
      scf.if %cond3A_162 {
        %mul3A_190 = arith.constant 200 : i32
        %mul3A_191 = arith.muli %mul3A_139, %mul3A_190 : i32
        %add3A_192 = arith.addi %mul3A_32, %mul3A_191 : i32
        %dma_wait3A_193 = tpu.memref_slice %arg4[%add3A_192, %mul3A_34] : memref<100000x1024xf32, #tpu.memory_space<hbm>> -> memref<200x128xf32, #tpu.memory_space<hbm>>
        %dma_wait3A_194 = tpu.memref_slice %arg4[%add3A_192, %mul3A_34] : memref<100000x1024xf32, #tpu.memory_space<hbm>> -> memref<200x128xf32, #tpu.memory_space<hbm>>
        tpu.wait_dma2 semaphore(%arg19 : memref<!tpu.dma_semaphore, #tpu.memory_space<semaphore_mem>>) src(%arg6 : memref<200x128xf32, #tpu.memory_space<vmem>>) dst(%dma_wait3A_194 : memref<200x128xf32, #tpu.memory_space<hbm>>)
        %add3A_195 = arith.constant 2 : i32
        %add3A_196 = arith.addi %mul3A_139, %add3A_195 : i32
        %mul3A_197 = arith.constant 200 : i32
        %mul3A_198 = arith.muli %add3A_196, %mul3A_197 : i32
        %add3A_199 = arith.addi %mul3A_32, %mul3A_198 : i32
        %dma_start3A_200 = tpu.memref_slice %arg2[%add3A_199, %mul3A_34] : memref<100000x1024xf32, #tpu.memory_space<hbm>> -> memref<200x128xf32, #tpu.memory_space<hbm>>
        %dma_start3A_201 = tpu.memref_slice %arg2[%add3A_199, %mul3A_34] : memref<100000x1024xf32, #tpu.memory_space<hbm>> -> memref<200x128xf32, #tpu.memory_space<hbm>>
        tpu.enqueue_dma source(%dma_start3A_201 : memref<200x128xf32, #tpu.memory_space<hbm>>) target(%arg6 : memref<200x128xf32, #tpu.memory_space<vmem>>) target_semaphore(%arg17 : memref<!tpu.dma_semaphore, #tpu.memory_space<semaphore_mem>>)
      } else {
      }
      %mul3A_163 = arith.constant 2 : i32
      %mul3A_164 = arith.muli %mul3A_163, %scan3A_121 : i32
      %add3A_165 = arith.constant 1 : i32
      %add3A_166 = arith.addi %mul3A_164, %add3A_165 : i32
      %mul3A_167 = arith.constant 200 : i32
      %mul3A_168 = arith.muli %add3A_166, %mul3A_167 : i32
      %add3A_169 = arith.addi %mul3A_32, %mul3A_168 : i32
      %dma_wait3A_170 = tpu.memref_slice %arg2[%add3A_169, %mul3A_34] : memref<100000x1024xf32, #tpu.memory_space<hbm>> -> memref<200x128xf32, #tpu.memory_space<hbm>>
      %dma_wait3A_171 = tpu.memref_slice %arg2[%add3A_169, %mul3A_34] : memref<100000x1024xf32, #tpu.memory_space<hbm>> -> memref<200x128xf32, #tpu.memory_space<hbm>>
      tpu.wait_dma2 semaphore(%arg18 : memref<!tpu.dma_semaphore, #tpu.memory_space<semaphore_mem>>) src(%dma_wait3A_171 : memref<200x128xf32, #tpu.memory_space<hbm>>) dst(%arg7 : memref<200x128xf32, #tpu.memory_space<vmem>>)
      %mul3A_172 = arith.constant 200 : i32
      %mul3A_173 = arith.muli %add3A_166, %mul3A_172 : i32
      %add3A_174 = arith.addi %mul3A_32, %mul3A_173 : i32
      %dma_start3A_175 = tpu.memref_slice %arg4[%add3A_174, %mul3A_34] : memref<100000x1024xf32, #tpu.memory_space<hbm>> -> memref<200x128xf32, #tpu.memory_space<hbm>>
      %dma_start3A_176 = tpu.memref_slice %arg4[%add3A_174, %mul3A_34] : memref<100000x1024xf32, #tpu.memory_space<hbm>> -> memref<200x128xf32, #tpu.memory_space<hbm>>
      tpu.enqueue_dma source(%arg7 : memref<200x128xf32, #tpu.memory_space<vmem>>) target(%dma_start3A_176 : memref<200x128xf32, #tpu.memory_space<hbm>>) target_semaphore(%arg20 : memref<!tpu.dma_semaphore, #tpu.memory_space<semaphore_mem>>)
      %scan3A_177 = arith.constant 0 : i32
      %scan3A_178 = arith.constant 100 : i32
      %scan3A_179 = arith.addi %scan3A_177, %scan3A_178 : i32
      %scan3A_180 = arith.constant 1 : i32
      %scan3A_181:16 = scf.for %scan3A_190 = %scan3A_177 to %scan3A_179 step %scan3A_180 iter_args(%scan3A_191 = %scan3A_154#0, %scan3A_192 = %scan3A_154#1, %scan3A_193 = %scan3A_154#2, %scan3A_194 = %scan3A_154#3, %scan3A_195 = %scan3A_154#4, %scan3A_196 = %scan3A_154#5, %scan3A_197 = %scan3A_154#6, %scan3A_198 = %scan3A_154#7, %scan3A_199 = %scan3A_154#8, %scan3A_200 = %scan3A_154#9, %scan3A_201 = %scan3A_154#10, %scan3A_202 = %scan3A_154#11, %scan3A_203 = %scan3A_154#12, %scan3A_204 = %scan3A_154#13, %scan3A_205 = %scan3A_154#14, %scan3A_206 = %scan3A_154#15) -> (vector<16xf32>, vector<16xi32>, vector<16xf32>, vector<16xi32>, vector<16xf32>, vector<16xi32>, vector<16xf32>, vector<16xi32>, vector<16xf32>, vector<16xi32>, vector<16xf32>, vector<16xi32>, vector<16xf32>, vector<16xi32>, vector<16xf32>, vector<16xi32>)  : i32 {
        %mul3A_207 = arith.constant 2 : i32
        %mul3A_208 = arith.muli %scan3A_190, %mul3A_207 : i32
        %add3A_209 = arith.constant 0 : i32
        %add3A_210 = arith.addi %mul3A_208, %add3A_209 : i32
        %mul3A_211 = arith.constant 200 : i32
        %mul3A_212 = arith.muli %add3A_166, %mul3A_211 : i32
        %add3A_213 = arith.addi %mul3A_212, %add3A_210 : i32
        %broadcast_in_dim3A_214 = vector.broadcast %add3A_213 : i32 to vector<16xi32>
        %get3A = arith.index_cast %add3A_210 : i32 to index
        %get3A_215 = arith.constant 0 : index
        %get3A_216 = tpu.vector_load %arg7[%get3A, %get3A_215] {strides = array<i32>} : memref<200x128xf32, #tpu.memory_space<vmem>>, vector<16xf32>,
        %gt3A = arith.cmpf ogt, %get3A_216, %scan3A_191 : vector<16xf32>
        %select_n3A_217 = arith.select %gt3A, %get3A_216, %scan3A_191 : vector<16xi1>, vector<16xf32>
        %select_n3A_218 = arith.select %gt3A, %broadcast_in_dim3A_214, %scan3A_192 : vector<16xi1>, vector<16xi32>
        %get3A_219 = arith.index_cast %add3A_210 : i32 to index
        %get3A_220 = arith.constant 16 : index
        %get3A_221 = tpu.vector_load %arg7[%get3A_219, %get3A_220] {strides = array<i32>} : memref<200x128xf32, #tpu.memory_space<vmem>>, vector<16xf32>,
        %gt3A_222 = arith.cmpf ogt, %get3A_221, %scan3A_193 : vector<16xf32>
        %select_n3A_223 = arith.select %gt3A_222, %get3A_221, %scan3A_193 : vector<16xi1>, vector<16xf32>
        %select_n3A_224 = arith.select %gt3A_222, %broadcast_in_dim3A_214, %scan3A_194 : vector<16xi1>, vector<16xi32>
        %get3A_225 = arith.index_cast %add3A_210 : i32 to index
        %get3A_226 = arith.constant 32 : index
        %get3A_227 = tpu.vector_load %arg7[%get3A_225, %get3A_226] {strides = array<i32>} : memref<200x128xf32, #tpu.memory_space<vmem>>, vector<16xf32>,
        %gt3A_228 = arith.cmpf ogt, %get3A_227, %scan3A_195 : vector<16xf32>
        %select_n3A_229 = arith.select %gt3A_228, %get3A_227, %scan3A_195 : vector<16xi1>, vector<16xf32>
        %select_n3A_230 = arith.select %gt3A_228, %broadcast_in_dim3A_214, %scan3A_196 : vector<16xi1>, vector<16xi32>
        %get3A_231 = arith.index_cast %add3A_210 : i32 to index
        %get3A_232 = arith.constant 48 : index
        %get3A_233 = tpu.vector_load %arg7[%get3A_231, %get3A_232] {strides = array<i32>} : memref<200x128xf32, #tpu.memory_space<vmem>>, vector<16xf32>,
        %gt3A_234 = arith.cmpf ogt, %get3A_233, %scan3A_197 : vector<16xf32>
        %select_n3A_235 = arith.select %gt3A_234, %get3A_233, %scan3A_197 : vector<16xi1>, vector<16xf32>
        %select_n3A_236 = arith.select %gt3A_234, %broadcast_in_dim3A_214, %scan3A_198 : vector<16xi1>, vector<16xi32>
        %get3A_237 = arith.index_cast %add3A_210 : i32 to index
        %get3A_238 = arith.constant 64 : index
        %get3A_239 = tpu.vector_load %arg7[%get3A_237, %get3A_238] {strides = array<i32>} : memref<200x128xf32, #tpu.memory_space<vmem>>, vector<16xf32>,
        %gt3A_240 = arith.cmpf ogt, %get3A_239, %scan3A_199 : vector<16xf32>
        %select_n3A_241 = arith.select %gt3A_240, %get3A_239, %scan3A_199 : vector<16xi1>, vector<16xf32>
        %select_n3A_242 = arith.select %gt3A_240, %broadcast_in_dim3A_214, %scan3A_200 : vector<16xi1>, vector<16xi32>
        %get3A_243 = arith.index_cast %add3A_210 : i32 to index
        %get3A_244 = arith.constant 80 : index
        %get3A_245 = tpu.vector_load %arg7[%get3A_243, %get3A_244] {strides = array<i32>} : memref<200x128xf32, #tpu.memory_space<vmem>>, vector<16xf32>,
        %gt3A_246 = arith.cmpf ogt, %get3A_245, %scan3A_201 : vector<16xf32>
        %select_n3A_247 = arith.select %gt3A_246, %get3A_245, %scan3A_201 : vector<16xi1>, vector<16xf32>
        %select_n3A_248 = arith.select %gt3A_246, %broadcast_in_dim3A_214, %scan3A_202 : vector<16xi1>, vector<16xi32>
        %get3A_249 = arith.index_cast %add3A_210 : i32 to index
        %get3A_250 = arith.constant 96 : index
        %get3A_251 = tpu.vector_load %arg7[%get3A_249, %get3A_250] {strides = array<i32>} : memref<200x128xf32, #tpu.memory_space<vmem>>, vector<16xf32>,
        %gt3A_252 = arith.cmpf ogt, %get3A_251, %scan3A_203 : vector<16xf32>
        %select_n3A_253 = arith.select %gt3A_252, %get3A_251, %scan3A_203 : vector<16xi1>, vector<16xf32>
        %select_n3A_254 = arith.select %gt3A_252, %broadcast_in_dim3A_214, %scan3A_204 : vector<16xi1>, vector<16xi32>
        %get3A_255 = arith.index_cast %add3A_210 : i32 to index
        %get3A_256 = arith.constant 112 : index
        %get3A_257 = tpu.vector_load %arg7[%get3A_255, %get3A_256] {strides = array<i32>} : memref<200x128xf32, #tpu.memory_space<vmem>>, vector<16xf32>,
        %gt3A_258 = arith.cmpf ogt, %get3A_257, %scan3A_205 : vector<16xf32>
        %select_n3A_259 = arith.select %gt3A_258, %get3A_257, %scan3A_205 : vector<16xi1>, vector<16xf32>
        %select_n3A_260 = arith.select %gt3A_258, %broadcast_in_dim3A_214, %scan3A_206 : vector<16xi1>, vector<16xi32>
        %mul3A_261 = arith.constant 2 : i32
        %mul3A_262 = arith.muli %scan3A_190, %mul3A_261 : i32
        %add3A_263 = arith.constant 1 : i32
        %add3A_264 = arith.addi %mul3A_262, %add3A_263 : i32
        %mul3A_265 = arith.constant 200 : i32
        %mul3A_266 = arith.muli %add3A_166, %mul3A_265 : i32
        %add3A_267 = arith.addi %mul3A_266, %add3A_264 : i32
        %broadcast_in_dim3A_268 = vector.broadcast %add3A_267 : i32 to vector<16xi32>
        %get3A_269 = arith.index_cast %add3A_264 : i32 to index
        %get3A_270 = arith.constant 0 : index
        %get3A_271 = tpu.vector_load %arg7[%get3A_269, %get3A_270] {strides = array<i32>} : memref<200x128xf32, #tpu.memory_space<vmem>>, vector<16xf32>,
        %gt3A_272 = arith.cmpf ogt, %get3A_271, %select_n3A_217 : vector<16xf32>
        %select_n3A_273 = arith.select %gt3A_272, %get3A_271, %select_n3A_217 : vector<16xi1>, vector<16xf32>
        %select_n3A_274 = arith.select %gt3A_272, %broadcast_in_dim3A_268, %select_n3A_218 : vector<16xi1>, vector<16xi32>
        %get3A_275 = arith.index_cast %add3A_264 : i32 to index
        %get3A_276 = arith.constant 16 : index
        %get3A_277 = tpu.vector_load %arg7[%get3A_275, %get3A_276] {strides = array<i32>} : memref<200x128xf32, #tpu.memory_space<vmem>>, vector<16xf32>,
        %gt3A_278 = arith.cmpf ogt, %get3A_277, %select_n3A_223 : vector<16xf32>
        %select_n3A_279 = arith.select %gt3A_278, %get3A_277, %select_n3A_223 : vector<16xi1>, vector<16xf32>
        %select_n3A_280 = arith.select %gt3A_278, %broadcast_in_dim3A_268, %select_n3A_224 : vector<16xi1>, vector<16xi32>
        %get3A_281 = arith.index_cast %add3A_264 : i32 to index
        %get3A_282 = arith.constant 32 : index
        %get3A_283 = tpu.vector_load %arg7[%get3A_281, %get3A_282] {strides = array<i32>} : memref<200x128xf32, #tpu.memory_space<vmem>>, vector<16xf32>,
        %gt3A_284 = arith.cmpf ogt, %get3A_283, %select_n3A_229 : vector<16xf32>
        %select_n3A_285 = arith.select %gt3A_284, %get3A_283, %select_n3A_229 : vector<16xi1>, vector<16xf32>
        %select_n3A_286 = arith.select %gt3A_284, %broadcast_in_dim3A_268, %select_n3A_230 : vector<16xi1>, vector<16xi32>
        %get3A_287 = arith.index_cast %add3A_264 : i32 to index
        %get3A_288 = arith.constant 48 : index
        %get3A_289 = tpu.vector_load %arg7[%get3A_287, %get3A_288] {strides = array<i32>} : memref<200x128xf32, #tpu.memory_space<vmem>>, vector<16xf32>,
        %gt3A_290 = arith.cmpf ogt, %get3A_289, %select_n3A_235 : vector<16xf32>
        %select_n3A_291 = arith.select %gt3A_290, %get3A_289, %select_n3A_235 : vector<16xi1>, vector<16xf32>
        %select_n3A_292 = arith.select %gt3A_290, %broadcast_in_dim3A_268, %select_n3A_236 : vector<16xi1>, vector<16xi32>
        %get3A_293 = arith.index_cast %add3A_264 : i32 to index
        %get3A_294 = arith.constant 64 : index
        %get3A_295 = tpu.vector_load %arg7[%get3A_293, %get3A_294] {strides = array<i32>} : memref<200x128xf32, #tpu.memory_space<vmem>>, vector<16xf32>,
        %gt3A_296 = arith.cmpf ogt, %get3A_295, %select_n3A_241 : vector<16xf32>
        %select_n3A_297 = arith.select %gt3A_296, %get3A_295, %select_n3A_241 : vector<16xi1>, vector<16xf32>
        %select_n3A_298 = arith.select %gt3A_296, %broadcast_in_dim3A_268, %select_n3A_242 : vector<16xi1>, vector<16xi32>
        %get3A_299 = arith.index_cast %add3A_264 : i32 to index
        %get3A_300 = arith.constant 80 : index
        %get3A_301 = tpu.vector_load %arg7[%get3A_299, %get3A_300] {strides = array<i32>} : memref<200x128xf32, #tpu.memory_space<vmem>>, vector<16xf32>,
        %gt3A_302 = arith.cmpf ogt, %get3A_301, %select_n3A_247 : vector<16xf32>
        %select_n3A_303 = arith.select %gt3A_302, %get3A_301, %select_n3A_247 : vector<16xi1>, vector<16xf32>
        %select_n3A_304 = arith.select %gt3A_302, %broadcast_in_dim3A_268, %select_n3A_248 : vector<16xi1>, vector<16xi32>
        %get3A_305 = arith.index_cast %add3A_264 : i32 to index
        %get3A_306 = arith.constant 96 : index
        %get3A_307 = tpu.vector_load %arg7[%get3A_305, %get3A_306] {strides = array<i32>} : memref<200x128xf32, #tpu.memory_space<vmem>>, vector<16xf32>,
        %gt3A_308 = arith.cmpf ogt, %get3A_307, %select_n3A_253 : vector<16xf32>
        %select_n3A_309 = arith.select %gt3A_308, %get3A_307, %select_n3A_253 : vector<16xi1>, vector<16xf32>
        %select_n3A_310 = arith.select %gt3A_308, %broadcast_in_dim3A_268, %select_n3A_254 : vector<16xi1>, vector<16xi32>
        %get3A_311 = arith.index_cast %add3A_264 : i32 to index
        %get3A_312 = arith.constant 112 : index
        %get3A_313 = tpu.vector_load %arg7[%get3A_311, %get3A_312] {strides = array<i32>} : memref<200x128xf32, #tpu.memory_space<vmem>>, vector<16xf32>,
        %gt3A_314 = arith.cmpf ogt, %get3A_313, %select_n3A_259 : vector<16xf32>
        %select_n3A_315 = arith.select %gt3A_314, %get3A_313, %select_n3A_259 : vector<16xi1>, vector<16xf32>
        %select_n3A_316 = arith.select %gt3A_314, %broadcast_in_dim3A_268, %select_n3A_260 : vector<16xi1>, vector<16xi32>
        scf.yield %select_n3A_273, %select_n3A_274, %select_n3A_279, %select_n3A_280, %select_n3A_285, %select_n3A_286, %select_n3A_291, %select_n3A_292, %select_n3A_297, %select_n3A_298, %select_n3A_303, %select_n3A_304, %select_n3A_309, %select_n3A_310, %select_n3A_315, %select_n3A_316 : vector<16xf32>, vector<16xi32>, vector<16xf32>, vector<16xi32>, vector<16xf32>, vector<16xi32>, vector<16xf32>, vector<16xi32>, vector<16xf32>, vector<16xi32>, vector<16xf32>, vector<16xi32>, vector<16xf32>, vector<16xi32>, vector<16xf32>, vector<16xi32>
      }
      %scan3A_182 = arith.constant 100 : i32
      %add3A_183 = arith.constant 2 : i32
      %add3A_184 = arith.addi %add3A_166, %add3A_183 : i32
      %lt3A_185 = arith.constant 125 : i32
      %lt3A_186 = arith.cmpi slt, %add3A_184, %lt3A_185 : i32
      %convert_element_type3A_187 = arith.extui %lt3A_186 : i1 to i32
      %cond3A_188 = arith.constant 0 : i32
      %cond3A_189 = arith.cmpi ne, %convert_element_type3A_187, %cond3A_188 : i32
      scf.if %cond3A_189 {
        %mul3A_190 = arith.constant 200 : i32
        %mul3A_191 = arith.muli %add3A_166, %mul3A_190 : i32
        %add3A_192 = arith.addi %mul3A_32, %mul3A_191 : i32
        %dma_wait3A_193 = tpu.memref_slice %arg4[%add3A_192, %mul3A_34] : memref<100000x1024xf32, #tpu.memory_space<hbm>> -> memref<200x128xf32, #tpu.memory_space<hbm>>
        %dma_wait3A_194 = tpu.memref_slice %arg4[%add3A_192, %mul3A_34] : memref<100000x1024xf32, #tpu.memory_space<hbm>> -> memref<200x128xf32, #tpu.memory_space<hbm>>
        tpu.wait_dma2 semaphore(%arg20 : memref<!tpu.dma_semaphore, #tpu.memory_space<semaphore_mem>>) src(%arg7 : memref<200x128xf32, #tpu.memory_space<vmem>>) dst(%dma_wait3A_194 : memref<200x128xf32, #tpu.memory_space<hbm>>)
        %add3A_195 = arith.constant 2 : i32
        %add3A_196 = arith.addi %add3A_166, %add3A_195 : i32
        %mul3A_197 = arith.constant 200 : i32
        %mul3A_198 = arith.muli %add3A_196, %mul3A_197 : i32
        %add3A_199 = arith.addi %mul3A_32, %mul3A_198 : i32
        %dma_start3A_200 = tpu.memref_slice %arg2[%add3A_199, %mul3A_34] : memref<100000x1024xf32, #tpu.memory_space<hbm>> -> memref<200x128xf32, #tpu.memory_space<hbm>>
        %dma_start3A_201 = tpu.memref_slice %arg2[%add3A_199, %mul3A_34] : memref<100000x1024xf32, #tpu.memory_space<hbm>> -> memref<200x128xf32, #tpu.memory_space<hbm>>
        tpu.enqueue_dma source(%dma_start3A_201 : memref<200x128xf32, #tpu.memory_space<hbm>>) target(%arg7 : memref<200x128xf32, #tpu.memory_space<vmem>>) target_semaphore(%arg18 : memref<!tpu.dma_semaphore, #tpu.memory_space<semaphore_mem>>)
      } else {
      }
      scf.yield %scan3A_181#0, %scan3A_181#1, %scan3A_181#2, %scan3A_181#3, %scan3A_181#4, %scan3A_181#5, %scan3A_181#6, %scan3A_181#7, %scan3A_181#8, %scan3A_181#9, %scan3A_181#10, %scan3A_181#11, %scan3A_181#12, %scan3A_181#13, %scan3A_181#14, %scan3A_181#15 : vector<16xf32>, vector<16xi32>, vector<16xf32>, vector<16xi32>, vector<16xf32>, vector<16xi32>, vector<16xf32>, vector<16xi32>, vector<16xf32>, vector<16xi32>, vector<16xf32>, vector<16xi32>, vector<16xf32>, vector<16xi32>, vector<16xf32>, vector<16xi32>
    }
    %scan3A_49 = arith.constant 62 : i32
    %add3A_50 = arith.constant 24800 : i32
    %add3A_51 = arith.addi %mul3A_32, %add3A_50 : i32
    %dma_wait3A = tpu.memref_slice %arg2[%add3A_51, %mul3A_34] : memref<100000x1024xf32, #tpu.memory_space<hbm>> -> memref<200x128xf32, #tpu.memory_space<hbm>>
    %dma_wait3A_52 = tpu.memref_slice %arg2[%add3A_51, %mul3A_34] : memref<100000x1024xf32, #tpu.memory_space<hbm>> -> memref<200x128xf32, #tpu.memory_space<hbm>>
    tpu.wait_dma2 semaphore(%arg17 : memref<!tpu.dma_semaphore, #tpu.memory_space<semaphore_mem>>) src(%dma_wait3A_52 : memref<200x128xf32, #tpu.memory_space<hbm>>) dst(%arg6 : memref<200x128xf32, #tpu.memory_space<vmem>>)
    %add3A_53 = arith.constant 24800 : i32
    %add3A_54 = arith.addi %mul3A_32, %add3A_53 : i32
    %dma_start3A_55 = tpu.memref_slice %arg4[%add3A_54, %mul3A_34] : memref<100000x1024xf32, #tpu.memory_space<hbm>> -> memref<200x128xf32, #tpu.memory_space<hbm>>
    %dma_start3A_56 = tpu.memref_slice %arg4[%add3A_54, %mul3A_34] : memref<100000x1024xf32, #tpu.memory_space<hbm>> -> memref<200x128xf32, #tpu.memory_space<hbm>>
    tpu.enqueue_dma source(%arg6 : memref<200x128xf32, #tpu.memory_space<vmem>>) target(%dma_start3A_56 : memref<200x128xf32, #tpu.memory_space<hbm>>) target_semaphore(%arg19 : memref<!tpu.dma_semaphore, #tpu.memory_space<semaphore_mem>>)
    %scan3A_57 = arith.constant 0 : i32
    %scan3A_58 = arith.constant 100 : i32
    %scan3A_59 = arith.addi %scan3A_57, %scan3A_58 : i32
    %scan3A_60 = arith.constant 1 : i32
    %scan3A_61:16 = scf.for %scan3A_121 = %scan3A_57 to %scan3A_59 step %scan3A_60 iter_args(%scan3A_122 = %scan3A_48#0, %scan3A_123 = %scan3A_48#1, %scan3A_124 = %scan3A_48#2, %scan3A_125 = %scan3A_48#3, %scan3A_126 = %scan3A_48#4, %scan3A_127 = %scan3A_48#5, %scan3A_128 = %scan3A_48#6, %scan3A_129 = %scan3A_48#7, %scan3A_130 = %scan3A_48#8, %scan3A_131 = %scan3A_48#9, %scan3A_132 = %scan3A_48#10, %scan3A_133 = %scan3A_48#11, %scan3A_134 = %scan3A_48#12, %scan3A_135 = %scan3A_48#13, %scan3A_136 = %scan3A_48#14, %scan3A_137 = %scan3A_48#15) -> (vector<16xf32>, vector<16xi32>, vector<16xf32>, vector<16xi32>, vector<16xf32>, vector<16xi32>, vector<16xf32>, vector<16xi32>, vector<16xf32>, vector<16xi32>, vector<16xf32>, vector<16xi32>, vector<16xf32>, vector<16xi32>, vector<16xf32>, vector<16xi32>)  : i32 {
      %mul3A_138 = arith.constant 2 : i32
      %mul3A_139 = arith.muli %scan3A_121, %mul3A_138 : i32
      %add3A_140 = arith.constant 0 : i32
      %add3A_141 = arith.addi %mul3A_139, %add3A_140 : i32
      %add3A_142 = arith.constant 24800 : i32
      %add3A_143 = arith.addi %add3A_142, %add3A_141 : i32
      %broadcast_in_dim3A_144 = vector.broadcast %add3A_143 : i32 to vector<16xi32>
      %get3A = arith.index_cast %add3A_141 : i32 to index
      %get3A_145 = arith.constant 0 : index
      %get3A_146 = tpu.vector_load %arg6[%get3A, %get3A_145] {strides = array<i32>} : memref<200x128xf32, #tpu.memory_space<vmem>>, vector<16xf32>,
      %gt3A = arith.cmpf ogt, %get3A_146, %scan3A_122 : vector<16xf32>
      %select_n3A_147 = arith.select %gt3A, %get3A_146, %scan3A_122 : vector<16xi1>, vector<16xf32>
      %select_n3A_148 = arith.select %gt3A, %broadcast_in_dim3A_144, %scan3A_123 : vector<16xi1>, vector<16xi32>
      %get3A_149 = arith.index_cast %add3A_141 : i32 to index
      %get3A_150 = arith.constant 16 : index
      %get3A_151 = tpu.vector_load %arg6[%get3A_149, %get3A_150] {strides = array<i32>} : memref<200x128xf32, #tpu.memory_space<vmem>>, vector<16xf32>,
      %gt3A_152 = arith.cmpf ogt, %get3A_151, %scan3A_124 : vector<16xf32>
      %select_n3A_153 = arith.select %gt3A_152, %get3A_151, %scan3A_124 : vector<16xi1>, vector<16xf32>
      %select_n3A_154 = arith.select %gt3A_152, %broadcast_in_dim3A_144, %scan3A_125 : vector<16xi1>, vector<16xi32>
      %get3A_155 = arith.index_cast %add3A_141 : i32 to index
      %get3A_156 = arith.constant 32 : index
      %get3A_157 = tpu.vector_load %arg6[%get3A_155, %get3A_156] {strides = array<i32>} : memref<200x128xf32, #tpu.memory_space<vmem>>, vector<16xf32>,
      %gt3A_158 = arith.cmpf ogt, %get3A_157, %scan3A_126 : vector<16xf32>
      %select_n3A_159 = arith.select %gt3A_158, %get3A_157, %scan3A_126 : vector<16xi1>, vector<16xf32>
      %select_n3A_160 = arith.select %gt3A_158, %broadcast_in_dim3A_144, %scan3A_127 : vector<16xi1>, vector<16xi32>
      %get3A_161 = arith.index_cast %add3A_141 : i32 to index
      %get3A_162 = arith.constant 48 : index
      %get3A_163 = tpu.vector_load %arg6[%get3A_161, %get3A_162] {strides = array<i32>} : memref<200x128xf32, #tpu.memory_space<vmem>>, vector<16xf32>,
      %gt3A_164 = arith.cmpf ogt, %get3A_163, %scan3A_128 : vector<16xf32>
      %select_n3A_165 = arith.select %gt3A_164, %get3A_163, %scan3A_128 : vector<16xi1>, vector<16xf32>
      %select_n3A_166 = arith.select %gt3A_164, %broadcast_in_dim3A_144, %scan3A_129 : vector<16xi1>, vector<16xi32>
      %get3A_167 = arith.index_cast %add3A_141 : i32 to index
      %get3A_168 = arith.constant 64 : index
      %get3A_169 = tpu.vector_load %arg6[%get3A_167, %get3A_168] {strides = array<i32>} : memref<200x128xf32, #tpu.memory_space<vmem>>, vector<16xf32>,
      %gt3A_170 = arith.cmpf ogt, %get3A_169, %scan3A_130 : vector<16xf32>
      %select_n3A_171 = arith.select %gt3A_170, %get3A_169, %scan3A_130 : vector<16xi1>, vector<16xf32>
      %select_n3A_172 = arith.select %gt3A_170, %broadcast_in_dim3A_144, %scan3A_131 : vector<16xi1>, vector<16xi32>
      %get3A_173 = arith.index_cast %add3A_141 : i32 to index
      %get3A_174 = arith.constant 80 : index
      %get3A_175 = tpu.vector_load %arg6[%get3A_173, %get3A_174] {strides = array<i32>} : memref<200x128xf32, #tpu.memory_space<vmem>>, vector<16xf32>,
      %gt3A_176 = arith.cmpf ogt, %get3A_175, %scan3A_132 : vector<16xf32>
      %select_n3A_177 = arith.select %gt3A_176, %get3A_175, %scan3A_132 : vector<16xi1>, vector<16xf32>
      %select_n3A_178 = arith.select %gt3A_176, %broadcast_in_dim3A_144, %scan3A_133 : vector<16xi1>, vector<16xi32>
      %get3A_179 = arith.index_cast %add3A_141 : i32 to index
      %get3A_180 = arith.constant 96 : index
      %get3A_181 = tpu.vector_load %arg6[%get3A_179, %get3A_180] {strides = array<i32>} : memref<200x128xf32, #tpu.memory_space<vmem>>, vector<16xf32>,
      %gt3A_182 = arith.cmpf ogt, %get3A_181, %scan3A_134 : vector<16xf32>
      %select_n3A_183 = arith.select %gt3A_182, %get3A_181, %scan3A_134 : vector<16xi1>, vector<16xf32>
      %select_n3A_184 = arith.select %gt3A_182, %broadcast_in_dim3A_144, %scan3A_135 : vector<16xi1>, vector<16xi32>
      %get3A_185 = arith.index_cast %add3A_141 : i32 to index
      %get3A_186 = arith.constant 112 : index
      %get3A_187 = tpu.vector_load %arg6[%get3A_185, %get3A_186] {strides = array<i32>} : memref<200x128xf32, #tpu.memory_space<vmem>>, vector<16xf32>,
      %gt3A_188 = arith.cmpf ogt, %get3A_187, %scan3A_136 : vector<16xf32>
      %select_n3A_189 = arith.select %gt3A_188, %get3A_187, %scan3A_136 : vector<16xi1>, vector<16xf32>
      %select_n3A_190 = arith.select %gt3A_188, %broadcast_in_dim3A_144, %scan3A_137 : vector<16xi1>, vector<16xi32>
      %mul3A_191 = arith.constant 2 : i32
      %mul3A_192 = arith.muli %scan3A_121, %mul3A_191 : i32
      %add3A_193 = arith.constant 1 : i32
      %add3A_194 = arith.addi %mul3A_192, %add3A_193 : i32
      %add3A_195 = arith.constant 24800 : i32
      %add3A_196 = arith.addi %add3A_195, %add3A_194 : i32
      %broadcast_in_dim3A_197 = vector.broadcast %add3A_196 : i32 to vector<16xi32>
      %get3A_198 = arith.index_cast %add3A_194 : i32 to index
      %get3A_199 = arith.constant 0 : index
      %get3A_200 = tpu.vector_load %arg6[%get3A_198, %get3A_199] {strides = array<i32>} : memref<200x128xf32, #tpu.memory_space<vmem>>, vector<16xf32>,
      %gt3A_201 = arith.cmpf ogt, %get3A_200, %select_n3A_147 : vector<16xf32>
      %select_n3A_202 = arith.select %gt3A_201, %get3A_200, %select_n3A_147 : vector<16xi1>, vector<16xf32>
      %select_n3A_203 = arith.select %gt3A_201, %broadcast_in_dim3A_197, %select_n3A_148 : vector<16xi1>, vector<16xi32>
      %get3A_204 = arith.index_cast %add3A_194 : i32 to index
      %get3A_205 = arith.constant 16 : index
      %get3A_206 = tpu.vector_load %arg6[%get3A_204, %get3A_205] {strides = array<i32>} : memref<200x128xf32, #tpu.memory_space<vmem>>, vector<16xf32>,
      %gt3A_207 = arith.cmpf ogt, %get3A_206, %select_n3A_153 : vector<16xf32>
      %select_n3A_208 = arith.select %gt3A_207, %get3A_206, %select_n3A_153 : vector<16xi1>, vector<16xf32>
      %select_n3A_209 = arith.select %gt3A_207, %broadcast_in_dim3A_197, %select_n3A_154 : vector<16xi1>, vector<16xi32>
      %get3A_210 = arith.index_cast %add3A_194 : i32 to index
      %get3A_211 = arith.constant 32 : index
      %get3A_212 = tpu.vector_load %arg6[%get3A_210, %get3A_211] {strides = array<i32>} : memref<200x128xf32, #tpu.memory_space<vmem>>, vector<16xf32>,
      %gt3A_213 = arith.cmpf ogt, %get3A_212, %select_n3A_159 : vector<16xf32>
      %select_n3A_214 = arith.select %gt3A_213, %get3A_212, %select_n3A_159 : vector<16xi1>, vector<16xf32>
      %select_n3A_215 = arith.select %gt3A_213, %broadcast_in_dim3A_197, %select_n3A_160 : vector<16xi1>, vector<16xi32>
      %get3A_216 = arith.index_cast %add3A_194 : i32 to index
      %get3A_217 = arith.constant 48 : index
      %get3A_218 = tpu.vector_load %arg6[%get3A_216, %get3A_217] {strides = array<i32>} : memref<200x128xf32, #tpu.memory_space<vmem>>, vector<16xf32>,
      %gt3A_219 = arith.cmpf ogt, %get3A_218, %select_n3A_165 : vector<16xf32>
      %select_n3A_220 = arith.select %gt3A_219, %get3A_218, %select_n3A_165 : vector<16xi1>, vector<16xf32>
      %select_n3A_221 = arith.select %gt3A_219, %broadcast_in_dim3A_197, %select_n3A_166 : vector<16xi1>, vector<16xi32>
      %get3A_222 = arith.index_cast %add3A_194 : i32 to index
      %get3A_223 = arith.constant 64 : index
      %get3A_224 = tpu.vector_load %arg6[%get3A_222, %get3A_223] {strides = array<i32>} : memref<200x128xf32, #tpu.memory_space<vmem>>, vector<16xf32>,
      %gt3A_225 = arith.cmpf ogt, %get3A_224, %select_n3A_171 : vector<16xf32>
      %select_n3A_226 = arith.select %gt3A_225, %get3A_224, %select_n3A_171 : vector<16xi1>, vector<16xf32>
      %select_n3A_227 = arith.select %gt3A_225, %broadcast_in_dim3A_197, %select_n3A_172 : vector<16xi1>, vector<16xi32>
      %get3A_228 = arith.index_cast %add3A_194 : i32 to index
      %get3A_229 = arith.constant 80 : index
      %get3A_230 = tpu.vector_load %arg6[%get3A_228, %get3A_229] {strides = array<i32>} : memref<200x128xf32, #tpu.memory_space<vmem>>, vector<16xf32>,
      %gt3A_231 = arith.cmpf ogt, %get3A_230, %select_n3A_177 : vector<16xf32>
      %select_n3A_232 = arith.select %gt3A_231, %get3A_230, %select_n3A_177 : vector<16xi1>, vector<16xf32>
      %select_n3A_233 = arith.select %gt3A_231, %broadcast_in_dim3A_197, %select_n3A_178 : vector<16xi1>, vector<16xi32>
      %get3A_234 = arith.index_cast %add3A_194 : i32 to index
      %get3A_235 = arith.constant 96 : index
      %get3A_236 = tpu.vector_load %arg6[%get3A_234, %get3A_235] {strides = array<i32>} : memref<200x128xf32, #tpu.memory_space<vmem>>, vector<16xf32>,
      %gt3A_237 = arith.cmpf ogt, %get3A_236, %select_n3A_183 : vector<16xf32>
      %select_n3A_238 = arith.select %gt3A_237, %get3A_236, %select_n3A_183 : vector<16xi1>, vector<16xf32>
      %select_n3A_239 = arith.select %gt3A_237, %broadcast_in_dim3A_197, %select_n3A_184 : vector<16xi1>, vector<16xi32>
      %get3A_240 = arith.index_cast %add3A_194 : i32 to index
      %get3A_241 = arith.constant 112 : index
      %get3A_242 = tpu.vector_load %arg6[%get3A_240, %get3A_241] {strides = array<i32>} : memref<200x128xf32, #tpu.memory_space<vmem>>, vector<16xf32>,
      %gt3A_243 = arith.cmpf ogt, %get3A_242, %select_n3A_189 : vector<16xf32>
      %select_n3A_244 = arith.select %gt3A_243, %get3A_242, %select_n3A_189 : vector<16xi1>, vector<16xf32>
      %select_n3A_245 = arith.select %gt3A_243, %broadcast_in_dim3A_197, %select_n3A_190 : vector<16xi1>, vector<16xi32>
      scf.yield %select_n3A_202, %select_n3A_203, %select_n3A_208, %select_n3A_209, %select_n3A_214, %select_n3A_215, %select_n3A_220, %select_n3A_221, %select_n3A_226, %select_n3A_227, %select_n3A_232, %select_n3A_233, %select_n3A_238, %select_n3A_239, %select_n3A_244, %select_n3A_245 : vector<16xf32>, vector<16xi32>, vector<16xf32>, vector<16xi32>, vector<16xf32>, vector<16xi32>, vector<16xf32>, vector<16xi32>, vector<16xf32>, vector<16xi32>, vector<16xf32>, vector<16xi32>, vector<16xf32>, vector<16xi32>, vector<16xf32>, vector<16xi32>
    }
    %scan3A_62 = arith.constant 100 : i32
    %add3A_63 = arith.constant 24600 : i32
    %add3A_64 = arith.addi %mul3A_32, %add3A_63 : i32
    %dma_wait3A_65 = tpu.memref_slice %arg4[%add3A_64, %mul3A_34] : memref<100000x1024xf32, #tpu.memory_space<hbm>> -> memref<200x128xf32, #tpu.memory_space<hbm>>
    %dma_wait3A_66 = tpu.memref_slice %arg4[%add3A_64, %mul3A_34] : memref<100000x1024xf32, #tpu.memory_space<hbm>> -> memref<200x128xf32, #tpu.memory_space<hbm>>
    tpu.wait_dma2 semaphore(%arg20 : memref<!tpu.dma_semaphore, #tpu.memory_space<semaphore_mem>>) src(%arg7 : memref<200x128xf32, #tpu.memory_space<vmem>>) dst(%dma_wait3A_66 : memref<200x128xf32, #tpu.memory_space<hbm>>)
    %add3A_67 = arith.constant 24800 : i32
    %add3A_68 = arith.addi %mul3A_32, %add3A_67 : i32
    %dma_wait3A_69 = tpu.memref_slice %arg4[%add3A_68, %mul3A_34] : memref<100000x1024xf32, #tpu.memory_space<hbm>> -> memref<200x128xf32, #tpu.memory_space<hbm>>
    %dma_wait3A_70 = tpu.memref_slice %arg4[%add3A_68, %mul3A_34] : memref<100000x1024xf32, #tpu.memory_space<hbm>> -> memref<200x128xf32, #tpu.memory_space<hbm>>
    tpu.wait_dma2 semaphore(%arg19 : memref<!tpu.dma_semaphore, #tpu.memory_space<semaphore_mem>>) src(%arg6 : memref<200x128xf32, #tpu.memory_space<vmem>>) dst(%dma_wait3A_70 : memref<200x128xf32, #tpu.memory_space<hbm>>)
    %swap3A = arith.constant 0 : index
    %swap3A_71 = tpu.vector_load %arg8[%swap3A] {strides = array<i32>} : memref<128xf32, #tpu.memory_space<vmem>>, vector<16xf32>,
    tpu.vector_store %arg8[%swap3A], %scan3A_61#0 {strides = array<i32>} : memref<128xf32, #tpu.memory_space<vmem>>, vector<16xf32>,
    %broadcast_in_dim3A_72 = vector.broadcast %mul3A_32 : i32 to vector<16xi32>
    %add3A_73 = arith.addi %scan3A_61#1, %broadcast_in_dim3A_72 : vector<16xi32>
    %swap3A_74 = arith.constant 0 : index
    %swap3A_75 = tpu.vector_load %arg9[%swap3A_74] {strides = array<i32>} : memref<128xi32, #tpu.memory_space<vmem>>, vector<16xi32>,
    tpu.vector_store %arg9[%swap3A_74], %add3A_73 {strides = array<i32>} : memref<128xi32, #tpu.memory_space<vmem>>, vector<16xi32>,
    %swap3A_76 = arith.constant 16 : index
    %swap3A_77 = tpu.vector_load %arg8[%swap3A_76] {strides = array<i32>} : memref<128xf32, #tpu.memory_space<vmem>>, vector<16xf32>,
    tpu.vector_store %arg8[%swap3A_76], %scan3A_61#2 {strides = array<i32>} : memref<128xf32, #tpu.memory_space<vmem>>, vector<16xf32>,
    %broadcast_in_dim3A_78 = vector.broadcast %mul3A_32 : i32 to vector<16xi32>
    %add3A_79 = arith.addi %scan3A_61#3, %broadcast_in_dim3A_78 : vector<16xi32>
    %swap3A_80 = arith.constant 16 : index
    %swap3A_81 = tpu.vector_load %arg9[%swap3A_80] {strides = array<i32>} : memref<128xi32, #tpu.memory_space<vmem>>, vector<16xi32>,
    tpu.vector_store %arg9[%swap3A_80], %add3A_79 {strides = array<i32>} : memref<128xi32, #tpu.memory_space<vmem>>, vector<16xi32>,
    %swap3A_82 = arith.constant 32 : index
    %swap3A_83 = tpu.vector_load %arg8[%swap3A_82] {strides = array<i32>} : memref<128xf32, #tpu.memory_space<vmem>>, vector<16xf32>,
    tpu.vector_store %arg8[%swap3A_82], %scan3A_61#4 {strides = array<i32>} : memref<128xf32, #tpu.memory_space<vmem>>, vector<16xf32>,
    %broadcast_in_dim3A_84 = vector.broadcast %mul3A_32 : i32 to vector<16xi32>
    %add3A_85 = arith.addi %scan3A_61#5, %broadcast_in_dim3A_84 : vector<16xi32>
    %swap3A_86 = arith.constant 32 : index
    %swap3A_87 = tpu.vector_load %arg9[%swap3A_86] {strides = array<i32>} : memref<128xi32, #tpu.memory_space<vmem>>, vector<16xi32>,
    tpu.vector_store %arg9[%swap3A_86], %add3A_85 {strides = array<i32>} : memref<128xi32, #tpu.memory_space<vmem>>, vector<16xi32>,
    %swap3A_88 = arith.constant 48 : index
    %swap3A_89 = tpu.vector_load %arg8[%swap3A_88] {strides = array<i32>} : memref<128xf32, #tpu.memory_space<vmem>>, vector<16xf32>,
    tpu.vector_store %arg8[%swap3A_88], %scan3A_61#6 {strides = array<i32>} : memref<128xf32, #tpu.memory_space<vmem>>, vector<16xf32>,
    %broadcast_in_dim3A_90 = vector.broadcast %mul3A_32 : i32 to vector<16xi32>
    %add3A_91 = arith.addi %scan3A_61#7, %broadcast_in_dim3A_90 : vector<16xi32>
    %swap3A_92 = arith.constant 48 : index
    %swap3A_93 = tpu.vector_load %arg9[%swap3A_92] {strides = array<i32>} : memref<128xi32, #tpu.memory_space<vmem>>, vector<16xi32>,
    tpu.vector_store %arg9[%swap3A_92], %add3A_91 {strides = array<i32>} : memref<128xi32, #tpu.memory_space<vmem>>, vector<16xi32>,
    %swap3A_94 = arith.constant 64 : index
    %swap3A_95 = tpu.vector_load %arg8[%swap3A_94] {strides = array<i32>} : memref<128xf32, #tpu.memory_space<vmem>>, vector<16xf32>,
    tpu.vector_store %arg8[%swap3A_94], %scan3A_61#8 {strides = array<i32>} : memref<128xf32, #tpu.memory_space<vmem>>, vector<16xf32>,
    %broadcast_in_dim3A_96 = vector.broadcast %mul3A_32 : i32 to vector<16xi32>
    %add3A_97 = arith.addi %scan3A_61#9, %broadcast_in_dim3A_96 : vector<16xi32>
    %swap3A_98 = arith.constant 64 : index
    %swap3A_99 = tpu.vector_load %arg9[%swap3A_98] {strides = array<i32>} : memref<128xi32, #tpu.memory_space<vmem>>, vector<16xi32>,
    tpu.vector_store %arg9[%swap3A_98], %add3A_97 {strides = array<i32>} : memref<128xi32, #tpu.memory_space<vmem>>, vector<16xi32>,
    %swap3A_100 = arith.constant 80 : index
    %swap3A_101 = tpu.vector_load %arg8[%swap3A_100] {strides = array<i32>} : memref<128xf32, #tpu.memory_space<vmem>>, vector<16xf32>,
    tpu.vector_store %arg8[%swap3A_100], %scan3A_61#10 {strides = array<i32>} : memref<128xf32, #tpu.memory_space<vmem>>, vector<16xf32>,
    %broadcast_in_dim3A_102 = vector.broadcast %mul3A_32 : i32 to vector<16xi32>
    %add3A_103 = arith.addi %scan3A_61#11, %broadcast_in_dim3A_102 : vector<16xi32>
    %swap3A_104 = arith.constant 80 : index
    %swap3A_105 = tpu.vector_load %arg9[%swap3A_104] {strides = array<i32>} : memref<128xi32, #tpu.memory_space<vmem>>, vector<16xi32>,
    tpu.vector_store %arg9[%swap3A_104], %add3A_103 {strides = array<i32>} : memref<128xi32, #tpu.memory_space<vmem>>, vector<16xi32>,
    %swap3A_106 = arith.constant 96 : index
    %swap3A_107 = tpu.vector_load %arg8[%swap3A_106] {strides = array<i32>} : memref<128xf32, #tpu.memory_space<vmem>>, vector<16xf32>,
    tpu.vector_store %arg8[%swap3A_106], %scan3A_61#12 {strides = array<i32>} : memref<128xf32, #tpu.memory_space<vmem>>, vector<16xf32>,
    %broadcast_in_dim3A_108 = vector.broadcast %mul3A_32 : i32 to vector<16xi32>
    %add3A_109 = arith.addi %scan3A_61#13, %broadcast_in_dim3A_108 : vector<16xi32>
    %swap3A_110 = arith.constant 96 : index
    %swap3A_111 = tpu.vector_load %arg9[%swap3A_110] {strides = array<i32>} : memref<128xi32, #tpu.memory_space<vmem>>, vector<16xi32>,
    tpu.vector_store %arg9[%swap3A_110], %add3A_109 {strides = array<i32>} : memref<128xi32, #tpu.memory_space<vmem>>, vector<16xi32>,
    %swap3A_112 = arith.constant 112 : index
    %swap3A_113 = tpu.vector_load %arg8[%swap3A_112] {strides = array<i32>} : memref<128xf32, #tpu.memory_space<vmem>>, vector<16xf32>,
    tpu.vector_store %arg8[%swap3A_112], %scan3A_61#14 {strides = array<i32>} : memref<128xf32, #tpu.memory_space<vmem>>, vector<16xf32>,
    %broadcast_in_dim3A_114 = vector.broadcast %mul3A_32 : i32 to vector<16xi32>
    %add3A_115 = arith.addi %scan3A_61#15, %broadcast_in_dim3A_114 : vector<16xi32>
    %swap3A_116 = arith.constant 112 : index
    %swap3A_117 = tpu.vector_load %arg9[%swap3A_116] {strides = array<i32>} : memref<128xi32, #tpu.memory_space<vmem>>, vector<16xi32>,
    tpu.vector_store %arg9[%swap3A_116], %add3A_115 {strides = array<i32>} : memref<128xi32, #tpu.memory_space<vmem>>, vector<16xi32>,
    "tpu.region"() ({
      %run_scoped3A = tpu.sem_alloc : memref<!tpu.dma_semaphore, #tpu.memory_space<semaphore_mem>>
      %dma_start3A_121 = arith.constant 0 : i32
      %dma_start3A_122 = tpu.memref_slice %arg15[%arg1, %dma_start3A_121] : memref<16x128xf32, #tpu.memory_space<vmem_shared>> -> memref<1x128xf32, #tpu.memory_space<vmem_shared>>
      %dma_start3A_123 = tpu.memref_squeeze %dma_start3A_122 : memref<1x128xf32, #tpu.memory_space<vmem_shared>> -> memref<128xf32, #tpu.memory_space<vmem_shared>>
      %dma_start3A_124 = arith.constant 0 : i32
      %dma_start3A_125 = tpu.memref_slice %arg15[%arg1, %dma_start3A_124] : memref<16x128xf32, #tpu.memory_space<vmem_shared>> -> memref<1x128xf32, #tpu.memory_space<vmem_shared>>
      %dma_start3A_126 = tpu.memref_squeeze %dma_start3A_125 : memref<1x128xf32, #tpu.memory_space<vmem_shared>> -> memref<128xf32, #tpu.memory_space<vmem_shared>>
      tpu.enqueue_dma source(%arg8 : memref<128xf32, #tpu.memory_space<vmem>>) target(%dma_start3A_126 : memref<128xf32, #tpu.memory_space<vmem_shared>>) target_semaphore(%run_scoped3A : memref<!tpu.dma_semaphore, #tpu.memory_space<semaphore_mem>>)
      %dma_wait3A_127 = arith.constant 0 : i32
      %dma_wait3A_128 = tpu.memref_slice %arg15[%arg1, %dma_wait3A_127] : memref<16x128xf32, #tpu.memory_space<vmem_shared>> -> memref<1x128xf32, #tpu.memory_space<vmem_shared>>
      %dma_wait3A_129 = tpu.memref_squeeze %dma_wait3A_128 : memref<1x128xf32, #tpu.memory_space<vmem_shared>> -> memref<128xf32, #tpu.memory_space<vmem_shared>>
      %dma_wait3A_130 = arith.constant 0 : i32
      %dma_wait3A_131 = tpu.memref_slice %arg15[%arg1, %dma_wait3A_130] : memref<16x128xf32, #tpu.memory_space<vmem_shared>> -> memref<1x128xf32, #tpu.memory_space<vmem_shared>>
      %dma_wait3A_132 = tpu.memref_squeeze %dma_wait3A_131 : memref<1x128xf32, #tpu.memory_space<vmem_shared>> -> memref<128xf32, #tpu.memory_space<vmem_shared>>
      tpu.wait_dma2 semaphore(%run_scoped3A : memref<!tpu.dma_semaphore, #tpu.memory_space<semaphore_mem>>) src(%arg8 : memref<128xf32, #tpu.memory_space<vmem>>) dst(%dma_wait3A_132 : memref<128xf32, #tpu.memory_space<vmem_shared>>)
      tpu.yield
    }) : () -> ()
    "tpu.region"() ({
      %run_scoped3A = tpu.sem_alloc : memref<!tpu.dma_semaphore, #tpu.memory_space<semaphore_mem>>
      %dma_start3A_121 = arith.constant 0 : i32
      %dma_start3A_122 = tpu.memref_slice %arg16[%arg1, %dma_start3A_121] : memref<16x128xi32, #tpu.memory_space<vmem_shared>> -> memref<1x128xi32, #tpu.memory_space<vmem_shared>>
      %dma_start3A_123 = tpu.memref_squeeze %dma_start3A_122 : memref<1x128xi32, #tpu.memory_space<vmem_shared>> -> memref<128xi32, #tpu.memory_space<vmem_shared>>
      %dma_start3A_124 = arith.constant 0 : i32
      %dma_start3A_125 = tpu.memref_slice %arg16[%arg1, %dma_start3A_124] : memref<16x128xi32, #tpu.memory_space<vmem_shared>> -> memref<1x128xi32, #tpu.memory_space<vmem_shared>>
      %dma_start3A_126 = tpu.memref_squeeze %dma_start3A_125 : memref<1x128xi32, #tpu.memory_space<vmem_shared>> -> memref<128xi32, #tpu.memory_space<vmem_shared>>
      tpu.enqueue_dma source(%arg9 : memref<128xi32, #tpu.memory_space<vmem>>) target(%dma_start3A_126 : memref<128xi32, #tpu.memory_space<vmem_shared>>) target_semaphore(%run_scoped3A : memref<!tpu.dma_semaphore, #tpu.memory_space<semaphore_mem>>)
      %dma_wait3A_127 = arith.constant 0 : i32
      %dma_wait3A_128 = tpu.memref_slice %arg16[%arg1, %dma_wait3A_127] : memref<16x128xi32, #tpu.memory_space<vmem_shared>> -> memref<1x128xi32, #tpu.memory_space<vmem_shared>>
      %dma_wait3A_129 = tpu.memref_squeeze %dma_wait3A_128 : memref<1x128xi32, #tpu.memory_space<vmem_shared>> -> memref<128xi32, #tpu.memory_space<vmem_shared>>
      %dma_wait3A_130 = arith.constant 0 : i32
      %dma_wait3A_131 = tpu.memref_slice %arg16[%arg1, %dma_wait3A_130] : memref<16x128xi32, #tpu.memory_space<vmem_shared>> -> memref<1x128xi32, #tpu.memory_space<vmem_shared>>
      %dma_wait3A_132 = tpu.memref_squeeze %dma_wait3A_131 : memref<1x128xi32, #tpu.memory_space<vmem_shared>> -> memref<128xi32, #tpu.memory_space<vmem_shared>>
      tpu.wait_dma2 semaphore(%run_scoped3A : memref<!tpu.dma_semaphore, #tpu.memory_space<semaphore_mem>>) src(%arg9 : memref<128xi32, #tpu.memory_space<vmem>>) dst(%dma_wait3A_132 : memref<128xi32, #tpu.memory_space<vmem_shared>>)
      tpu.yield
    }) : () -> ()
    %barrier3A = arith.constant 0 : index
    tpu.barrier barrier_id(%barrier3A)
    %eq3A_118 = arith.constant 0 : i32
    %eq3A_119 = arith.cmpi eq, %select_n3A_7, %eq3A_118 : i32
    %convert_element_type3A = arith.extui %eq3A_119 : i1 to i32
    %cond3A = arith.constant 0 : i32
    %cond3A_120 = arith.cmpi ne, %convert_element_type3A, %cond3A : i32
    scf.if %cond3A_120 {
      "tpu.region"() ({
        %run_scoped3A = tpu.sem_alloc : memref<!tpu.dma_semaphore, #tpu.memory_space<semaphore_mem>>
        %dma_start3A_603 = arith.constant 0 : i32
        %dma_start3A_604 = tpu.memref_slice %arg15[%arg1, %dma_start3A_603] : memref<16x128xf32, #tpu.memory_space<vmem_shared>> -> memref<4x128xf32, #tpu.memory_space<vmem_shared>>
        %dma_start3A_605 = arith.constant 0 : i32
        %dma_start3A_606 = tpu.memref_slice %arg15[%arg1, %dma_start3A_605] : memref<16x128xf32, #tpu.memory_space<vmem_shared>> -> memref<4x128xf32, #tpu.memory_space<vmem_shared>>
        tpu.enqueue_dma source(%dma_start3A_606 : memref<4x128xf32, #tpu.memory_space<vmem_shared>>) target(%arg10 : memref<4x128xf32, #tpu.memory_space<vmem>>) target_semaphore(%run_scoped3A : memref<!tpu.dma_semaphore, #tpu.memory_space<semaphore_mem>>)
        %dma_wait3A_607 = arith.constant 0 : i32
        %dma_wait3A_608 = tpu.memref_slice %arg15[%arg1, %dma_wait3A_607] : memref<16x128xf32, #tpu.memory_space<vmem_shared>> -> memref<4x128xf32, #tpu.memory_space<vmem_shared>>
        %dma_wait3A_609 = arith.constant 0 : i32
        %dma_wait3A_610 = tpu.memref_slice %arg15[%arg1, %dma_wait3A_609] : memref<16x128xf32, #tpu.memory_space<vmem_shared>> -> memref<4x128xf32, #tpu.memory_space<vmem_shared>>
        tpu.wait_dma2 semaphore(%run_scoped3A : memref<!tpu.dma_semaphore, #tpu.memory_space<semaphore_mem>>) src(%dma_wait3A_610 : memref<4x128xf32, #tpu.memory_space<vmem_shared>>) dst(%arg10 : memref<4x128xf32, #tpu.memory_space<vmem>>)
        tpu.yield
      }) : () -> ()
      "tpu.region"() ({
        %run_scoped3A = tpu.sem_alloc : memref<!tpu.dma_semaphore, #tpu.memory_space<semaphore_mem>>
        %dma_start3A_603 = arith.constant 0 : i32
        %dma_start3A_604 = tpu.memref_slice %arg16[%arg1, %dma_start3A_603] : memref<16x128xi32, #tpu.memory_space<vmem_shared>> -> memref<4x128xi32, #tpu.memory_space<vmem_shared>>
        %dma_start3A_605 = arith.constant 0 : i32
        %dma_start3A_606 = tpu.memref_slice %arg16[%arg1, %dma_start3A_605] : memref<16x128xi32, #tpu.memory_space<vmem_shared>> -> memref<4x128xi32, #tpu.memory_space<vmem_shared>>
        tpu.enqueue_dma source(%dma_start3A_606 : memref<4x128xi32, #tpu.memory_space<vmem_shared>>) target(%arg11 : memref<4x128xi32, #tpu.memory_space<vmem>>) target_semaphore(%run_scoped3A : memref<!tpu.dma_semaphore, #tpu.memory_space<semaphore_mem>>)
        %dma_wait3A_607 = arith.constant 0 : i32
        %dma_wait3A_608 = tpu.memref_slice %arg16[%arg1, %dma_wait3A_607] : memref<16x128xi32, #tpu.memory_space<vmem_shared>> -> memref<4x128xi32, #tpu.memory_space<vmem_shared>>
        %dma_wait3A_609 = arith.constant 0 : i32
        %dma_wait3A_610 = tpu.memref_slice %arg16[%arg1, %dma_wait3A_609] : memref<16x128xi32, #tpu.memory_space<vmem_shared>> -> memref<4x128xi32, #tpu.memory_space<vmem_shared>>
        tpu.wait_dma2 semaphore(%run_scoped3A : memref<!tpu.dma_semaphore, #tpu.memory_space<semaphore_mem>>) src(%dma_wait3A_610 : memref<4x128xi32, #tpu.memory_space<vmem_shared>>) dst(%arg11 : memref<4x128xi32, #tpu.memory_space<vmem>>)
        tpu.yield
      }) : () -> ()
      %get3A = arith.constant 0 : i32
      %get3A_121 = arith.index_cast %get3A : i32 to index
      %get3A_122 = arith.constant 0 : index
      %get3A_123 = tpu.vector_load %arg10[%get3A_121, %get3A_122] {strides = array<i32>} : memref<4x128xf32, #tpu.memory_space<vmem>>, vector<16xf32>,
      %get3A_124 = arith.constant 0 : i32
      %get3A_125 = arith.index_cast %get3A_124 : i32 to index
      %get3A_126 = arith.constant 0 : index
      %get3A_127 = tpu.vector_load %arg11[%get3A_125, %get3A_126] {strides = array<i32>} : memref<4x128xi32, #tpu.memory_space<vmem>>, vector<16xi32>,
      %get3A_128 = arith.constant 1 : i32
      %get3A_129 = arith.index_cast %get3A_128 : i32 to index
      %get3A_130 = arith.constant 0 : index
      %get3A_131 = tpu.vector_load %arg10[%get3A_129, %get3A_130] {strides = array<i32>} : memref<4x128xf32, #tpu.memory_space<vmem>>, vector<16xf32>,
      %get3A_132 = arith.constant 1 : i32
      %get3A_133 = arith.index_cast %get3A_132 : i32 to index
      %get3A_134 = arith.constant 0 : index
      %get3A_135 = tpu.vector_load %arg11[%get3A_133, %get3A_134] {strides = array<i32>} : memref<4x128xi32, #tpu.memory_space<vmem>>, vector<16xi32>,
      %gt3A = arith.cmpf ogt, %get3A_131, %get3A_123 : vector<16xf32>
      %eq3A_136 = arith.cmpf oeq, %get3A_131, %get3A_123 : vector<16xf32>
      %lt3A_137 = arith.cmpi slt, %get3A_135, %get3A_127 : vector<16xi32>
      %and3A_138 = arith.andi %eq3A_136, %lt3A_137 : vector<16xi1>
      %or3A = arith.ori %gt3A, %and3A_138 : vector<16xi1>
      %select_n3A_139 = arith.select %or3A, %get3A_131, %get3A_123 : vector<16xi1>, vector<16xf32>
      %select_n3A_140 = arith.select %or3A, %get3A_135, %get3A_127 : vector<16xi1>, vector<16xi32>
      %get3A_141 = arith.constant 2 : i32
      %get3A_142 = arith.index_cast %get3A_141 : i32 to index
      %get3A_143 = arith.constant 0 : index
      %get3A_144 = tpu.vector_load %arg10[%get3A_142, %get3A_143] {strides = array<i32>} : memref<4x128xf32, #tpu.memory_space<vmem>>, vector<16xf32>,
      %get3A_145 = arith.constant 2 : i32
      %get3A_146 = arith.index_cast %get3A_145 : i32 to index
      %get3A_147 = arith.constant 0 : index
      %get3A_148 = tpu.vector_load %arg11[%get3A_146, %get3A_147] {strides = array<i32>} : memref<4x128xi32, #tpu.memory_space<vmem>>, vector<16xi32>,
      %gt3A_149 = arith.cmpf ogt, %get3A_144, %select_n3A_139 : vector<16xf32>
      %eq3A_150 = arith.cmpf oeq, %get3A_144, %select_n3A_139 : vector<16xf32>
      %lt3A_151 = arith.cmpi slt, %get3A_148, %select_n3A_140 : vector<16xi32>
      %and3A_152 = arith.andi %eq3A_150, %lt3A_151 : vector<16xi1>
      %or3A_153 = arith.ori %gt3A_149, %and3A_152 : vector<16xi1>
      %select_n3A_154 = arith.select %or3A_153, %get3A_144, %select_n3A_139 : vector<16xi1>, vector<16xf32>
      %select_n3A_155 = arith.select %or3A_153, %get3A_148, %select_n3A_140 : vector<16xi1>, vector<16xi32>
      %get3A_156 = arith.constant 3 : i32
      %get3A_157 = arith.index_cast %get3A_156 : i32 to index
      %get3A_158 = arith.constant 0 : index
      %get3A_159 = tpu.vector_load %arg10[%get3A_157, %get3A_158] {strides = array<i32>} : memref<4x128xf32, #tpu.memory_space<vmem>>, vector<16xf32>,
      %get3A_160 = arith.constant 3 : i32
      %get3A_161 = arith.index_cast %get3A_160 : i32 to index
      %get3A_162 = arith.constant 0 : index
      %get3A_163 = tpu.vector_load %arg11[%get3A_161, %get3A_162] {strides = array<i32>} : memref<4x128xi32, #tpu.memory_space<vmem>>, vector<16xi32>,
      %gt3A_164 = arith.cmpf ogt, %get3A_159, %select_n3A_154 : vector<16xf32>
      %eq3A_165 = arith.cmpf oeq, %get3A_159, %select_n3A_154 : vector<16xf32>
      %lt3A_166 = arith.cmpi slt, %get3A_163, %select_n3A_155 : vector<16xi32>
      %and3A_167 = arith.andi %eq3A_165, %lt3A_166 : vector<16xi1>
      %or3A_168 = arith.ori %gt3A_164, %and3A_167 : vector<16xi1>
      %select_n3A_169 = arith.select %or3A_168, %get3A_159, %select_n3A_154 : vector<16xi1>, vector<16xf32>
      %select_n3A_170 = arith.select %or3A_168, %get3A_163, %select_n3A_155 : vector<16xi1>, vector<16xi32>
      %swap3A_171 = arith.constant 0 : index
      %swap3A_172 = tpu.vector_load %arg12[%swap3A_171] {strides = array<i32>} : memref<128xi32, #tpu.memory_space<vmem>>, vector<16xi32>,
      tpu.vector_store %arg12[%swap3A_171], %select_n3A_170 {strides = array<i32>} : memref<128xi32, #tpu.memory_space<vmem>>, vector<16xi32>,
      %get3A_173 = arith.constant 0 : i32
      %get3A_174 = arith.index_cast %get3A_173 : i32 to index
      %get3A_175 = arith.constant 16 : index
      %get3A_176 = tpu.vector_load %arg10[%get3A_174, %get3A_175] {strides = array<i32>} : memref<4x128xf32, #tpu.memory_space<vmem>>, vector<16xf32>,
      %get3A_177 = arith.constant 0 : i32
      %get3A_178 = arith.index_cast %get3A_177 : i32 to index
      %get3A_179 = arith.constant 16 : index
      %get3A_180 = tpu.vector_load %arg11[%get3A_178, %get3A_179] {strides = array<i32>} : memref<4x128xi32, #tpu.memory_space<vmem>>, vector<16xi32>,
      %get3A_181 = arith.constant 1 : i32
      %get3A_182 = arith.index_cast %get3A_181 : i32 to index
      %get3A_183 = arith.constant 16 : index
      %get3A_184 = tpu.vector_load %arg10[%get3A_182, %get3A_183] {strides = array<i32>} : memref<4x128xf32, #tpu.memory_space<vmem>>, vector<16xf32>,
      %get3A_185 = arith.constant 1 : i32
      %get3A_186 = arith.index_cast %get3A_185 : i32 to index
      %get3A_187 = arith.constant 16 : index
      %get3A_188 = tpu.vector_load %arg11[%get3A_186, %get3A_187] {strides = array<i32>} : memref<4x128xi32, #tpu.memory_space<vmem>>, vector<16xi32>,
      %gt3A_189 = arith.cmpf ogt, %get3A_184, %get3A_176 : vector<16xf32>
      %eq3A_190 = arith.cmpf oeq, %get3A_184, %get3A_176 : vector<16xf32>
      %lt3A_191 = arith.cmpi slt, %get3A_188, %get3A_180 : vector<16xi32>
      %and3A_192 = arith.andi %eq3A_190, %lt3A_191 : vector<16xi1>
      %or3A_193 = arith.ori %gt3A_189, %and3A_192 : vector<16xi1>
      %select_n3A_194 = arith.select %or3A_193, %get3A_184, %get3A_176 : vector<16xi1>, vector<16xf32>
      %select_n3A_195 = arith.select %or3A_193, %get3A_188, %get3A_180 : vector<16xi1>, vector<16xi32>
      %get3A_196 = arith.constant 2 : i32
      %get3A_197 = arith.index_cast %get3A_196 : i32 to index
      %get3A_198 = arith.constant 16 : index
      %get3A_199 = tpu.vector_load %arg10[%get3A_197, %get3A_198] {strides = array<i32>} : memref<4x128xf32, #tpu.memory_space<vmem>>, vector<16xf32>,
      %get3A_200 = arith.constant 2 : i32
      %get3A_201 = arith.index_cast %get3A_200 : i32 to index
      %get3A_202 = arith.constant 16 : index
      %get3A_203 = tpu.vector_load %arg11[%get3A_201, %get3A_202] {strides = array<i32>} : memref<4x128xi32, #tpu.memory_space<vmem>>, vector<16xi32>,
      %gt3A_204 = arith.cmpf ogt, %get3A_199, %select_n3A_194 : vector<16xf32>
      %eq3A_205 = arith.cmpf oeq, %get3A_199, %select_n3A_194 : vector<16xf32>
      %lt3A_206 = arith.cmpi slt, %get3A_203, %select_n3A_195 : vector<16xi32>
      %and3A_207 = arith.andi %eq3A_205, %lt3A_206 : vector<16xi1>
      %or3A_208 = arith.ori %gt3A_204, %and3A_207 : vector<16xi1>
      %select_n3A_209 = arith.select %or3A_208, %get3A_199, %select_n3A_194 : vector<16xi1>, vector<16xf32>
      %select_n3A_210 = arith.select %or3A_208, %get3A_203, %select_n3A_195 : vector<16xi1>, vector<16xi32>
      %get3A_211 = arith.constant 3 : i32
      %get3A_212 = arith.index_cast %get3A_211 : i32 to index
      %get3A_213 = arith.constant 16 : index
      %get3A_214 = tpu.vector_load %arg10[%get3A_212, %get3A_213] {strides = array<i32>} : memref<4x128xf32, #tpu.memory_space<vmem>>, vector<16xf32>,
      %get3A_215 = arith.constant 3 : i32
      %get3A_216 = arith.index_cast %get3A_215 : i32 to index
      %get3A_217 = arith.constant 16 : index
      %get3A_218 = tpu.vector_load %arg11[%get3A_216, %get3A_217] {strides = array<i32>} : memref<4x128xi32, #tpu.memory_space<vmem>>, vector<16xi32>,
      %gt3A_219 = arith.cmpf ogt, %get3A_214, %select_n3A_209 : vector<16xf32>
      %eq3A_220 = arith.cmpf oeq, %get3A_214, %select_n3A_209 : vector<16xf32>
      %lt3A_221 = arith.cmpi slt, %get3A_218, %select_n3A_210 : vector<16xi32>
      %and3A_222 = arith.andi %eq3A_220, %lt3A_221 : vector<16xi1>
      %or3A_223 = arith.ori %gt3A_219, %and3A_222 : vector<16xi1>
      %select_n3A_224 = arith.select %or3A_223, %get3A_214, %select_n3A_209 : vector<16xi1>, vector<16xf32>
      %select_n3A_225 = arith.select %or3A_223, %get3A_218, %select_n3A_210 : vector<16xi1>, vector<16xi32>
      %swap3A_226 = arith.constant 16 : index
      %swap3A_227 = tpu.vector_load %arg12[%swap3A_226] {strides = array<i32>} : memref<128xi32, #tpu.memory_space<vmem>>, vector<16xi32>,
      tpu.vector_store %arg12[%swap3A_226], %select_n3A_225 {strides = array<i32>} : memref<128xi32, #tpu.memory_space<vmem>>, vector<16xi32>,
      %get3A_228 = arith.constant 0 : i32
      %get3A_229 = arith.index_cast %get3A_228 : i32 to index
      %get3A_230 = arith.constant 32 : index
      %get3A_231 = tpu.vector_load %arg10[%get3A_229, %get3A_230] {strides = array<i32>} : memref<4x128xf32, #tpu.memory_space<vmem>>, vector<16xf32>,
      %get3A_232 = arith.constant 0 : i32
      %get3A_233 = arith.index_cast %get3A_232 : i32 to index
      %get3A_234 = arith.constant 32 : index
      %get3A_235 = tpu.vector_load %arg11[%get3A_233, %get3A_234] {strides = array<i32>} : memref<4x128xi32, #tpu.memory_space<vmem>>, vector<16xi32>,
      %get3A_236 = arith.constant 1 : i32
      %get3A_237 = arith.index_cast %get3A_236 : i32 to index
      %get3A_238 = arith.constant 32 : index
      %get3A_239 = tpu.vector_load %arg10[%get3A_237, %get3A_238] {strides = array<i32>} : memref<4x128xf32, #tpu.memory_space<vmem>>, vector<16xf32>,
      %get3A_240 = arith.constant 1 : i32
      %get3A_241 = arith.index_cast %get3A_240 : i32 to index
      %get3A_242 = arith.constant 32 : index
      %get3A_243 = tpu.vector_load %arg11[%get3A_241, %get3A_242] {strides = array<i32>} : memref<4x128xi32, #tpu.memory_space<vmem>>, vector<16xi32>,
      %gt3A_244 = arith.cmpf ogt, %get3A_239, %get3A_231 : vector<16xf32>
      %eq3A_245 = arith.cmpf oeq, %get3A_239, %get3A_231 : vector<16xf32>
      %lt3A_246 = arith.cmpi slt, %get3A_243, %get3A_235 : vector<16xi32>
      %and3A_247 = arith.andi %eq3A_245, %lt3A_246 : vector<16xi1>
      %or3A_248 = arith.ori %gt3A_244, %and3A_247 : vector<16xi1>
      %select_n3A_249 = arith.select %or3A_248, %get3A_239, %get3A_231 : vector<16xi1>, vector<16xf32>
      %select_n3A_250 = arith.select %or3A_248, %get3A_243, %get3A_235 : vector<16xi1>, vector<16xi32>
      %get3A_251 = arith.constant 2 : i32
      %get3A_252 = arith.index_cast %get3A_251 : i32 to index
      %get3A_253 = arith.constant 32 : index
      %get3A_254 = tpu.vector_load %arg10[%get3A_252, %get3A_253] {strides = array<i32>} : memref<4x128xf32, #tpu.memory_space<vmem>>, vector<16xf32>,
      %get3A_255 = arith.constant 2 : i32
      %get3A_256 = arith.index_cast %get3A_255 : i32 to index
      %get3A_257 = arith.constant 32 : index
      %get3A_258 = tpu.vector_load %arg11[%get3A_256, %get3A_257] {strides = array<i32>} : memref<4x128xi32, #tpu.memory_space<vmem>>, vector<16xi32>,
      %gt3A_259 = arith.cmpf ogt, %get3A_254, %select_n3A_249 : vector<16xf32>
      %eq3A_260 = arith.cmpf oeq, %get3A_254, %select_n3A_249 : vector<16xf32>
      %lt3A_261 = arith.cmpi slt, %get3A_258, %select_n3A_250 : vector<16xi32>
      %and3A_262 = arith.andi %eq3A_260, %lt3A_261 : vector<16xi1>
      %or3A_263 = arith.ori %gt3A_259, %and3A_262 : vector<16xi1>
      %select_n3A_264 = arith.select %or3A_263, %get3A_254, %select_n3A_249 : vector<16xi1>, vector<16xf32>
      %select_n3A_265 = arith.select %or3A_263, %get3A_258, %select_n3A_250 : vector<16xi1>, vector<16xi32>
      %get3A_266 = arith.constant 3 : i32
      %get3A_267 = arith.index_cast %get3A_266 : i32 to index
      %get3A_268 = arith.constant 32 : index
      %get3A_269 = tpu.vector_load %arg10[%get3A_267, %get3A_268] {strides = array<i32>} : memref<4x128xf32, #tpu.memory_space<vmem>>, vector<16xf32>,
      %get3A_270 = arith.constant 3 : i32
      %get3A_271 = arith.index_cast %get3A_270 : i32 to index
      %get3A_272 = arith.constant 32 : index
      %get3A_273 = tpu.vector_load %arg11[%get3A_271, %get3A_272] {strides = array<i32>} : memref<4x128xi32, #tpu.memory_space<vmem>>, vector<16xi32>,
      %gt3A_274 = arith.cmpf ogt, %get3A_269, %select_n3A_264 : vector<16xf32>
      %eq3A_275 = arith.cmpf oeq, %get3A_269, %select_n3A_264 : vector<16xf32>
      %lt3A_276 = arith.cmpi slt, %get3A_273, %select_n3A_265 : vector<16xi32>
      %and3A_277 = arith.andi %eq3A_275, %lt3A_276 : vector<16xi1>
      %or3A_278 = arith.ori %gt3A_274, %and3A_277 : vector<16xi1>
      %select_n3A_279 = arith.select %or3A_278, %get3A_269, %select_n3A_264 : vector<16xi1>, vector<16xf32>
      %select_n3A_280 = arith.select %or3A_278, %get3A_273, %select_n3A_265 : vector<16xi1>, vector<16xi32>
      %swap3A_281 = arith.constant 32 : index
      %swap3A_282 = tpu.vector_load %arg12[%swap3A_281] {strides = array<i32>} : memref<128xi32, #tpu.memory_space<vmem>>, vector<16xi32>,
      tpu.vector_store %arg12[%swap3A_281], %select_n3A_280 {strides = array<i32>} : memref<128xi32, #tpu.memory_space<vmem>>, vector<16xi32>,
      %get3A_283 = arith.constant 0 : i32
      %get3A_284 = arith.index_cast %get3A_283 : i32 to index
      %get3A_285 = arith.constant 48 : index
      %get3A_286 = tpu.vector_load %arg10[%get3A_284, %get3A_285] {strides = array<i32>} : memref<4x128xf32, #tpu.memory_space<vmem>>, vector<16xf32>,
      %get3A_287 = arith.constant 0 : i32
      %get3A_288 = arith.index_cast %get3A_287 : i32 to index
      %get3A_289 = arith.constant 48 : index
      %get3A_290 = tpu.vector_load %arg11[%get3A_288, %get3A_289] {strides = array<i32>} : memref<4x128xi32, #tpu.memory_space<vmem>>, vector<16xi32>,
      %get3A_291 = arith.constant 1 : i32
      %get3A_292 = arith.index_cast %get3A_291 : i32 to index
      %get3A_293 = arith.constant 48 : index
      %get3A_294 = tpu.vector_load %arg10[%get3A_292, %get3A_293] {strides = array<i32>} : memref<4x128xf32, #tpu.memory_space<vmem>>, vector<16xf32>,
      %get3A_295 = arith.constant 1 : i32
      %get3A_296 = arith.index_cast %get3A_295 : i32 to index
      %get3A_297 = arith.constant 48 : index
      %get3A_298 = tpu.vector_load %arg11[%get3A_296, %get3A_297] {strides = array<i32>} : memref<4x128xi32, #tpu.memory_space<vmem>>, vector<16xi32>,
      %gt3A_299 = arith.cmpf ogt, %get3A_294, %get3A_286 : vector<16xf32>
      %eq3A_300 = arith.cmpf oeq, %get3A_294, %get3A_286 : vector<16xf32>
      %lt3A_301 = arith.cmpi slt, %get3A_298, %get3A_290 : vector<16xi32>
      %and3A_302 = arith.andi %eq3A_300, %lt3A_301 : vector<16xi1>
      %or3A_303 = arith.ori %gt3A_299, %and3A_302 : vector<16xi1>
      %select_n3A_304 = arith.select %or3A_303, %get3A_294, %get3A_286 : vector<16xi1>, vector<16xf32>
      %select_n3A_305 = arith.select %or3A_303, %get3A_298, %get3A_290 : vector<16xi1>, vector<16xi32>
      %get3A_306 = arith.constant 2 : i32
      %get3A_307 = arith.index_cast %get3A_306 : i32 to index
      %get3A_308 = arith.constant 48 : index
      %get3A_309 = tpu.vector_load %arg10[%get3A_307, %get3A_308] {strides = array<i32>} : memref<4x128xf32, #tpu.memory_space<vmem>>, vector<16xf32>,
      %get3A_310 = arith.constant 2 : i32
      %get3A_311 = arith.index_cast %get3A_310 : i32 to index
      %get3A_312 = arith.constant 48 : index
      %get3A_313 = tpu.vector_load %arg11[%get3A_311, %get3A_312] {strides = array<i32>} : memref<4x128xi32, #tpu.memory_space<vmem>>, vector<16xi32>,
      %gt3A_314 = arith.cmpf ogt, %get3A_309, %select_n3A_304 : vector<16xf32>
      %eq3A_315 = arith.cmpf oeq, %get3A_309, %select_n3A_304 : vector<16xf32>
      %lt3A_316 = arith.cmpi slt, %get3A_313, %select_n3A_305 : vector<16xi32>
      %and3A_317 = arith.andi %eq3A_315, %lt3A_316 : vector<16xi1>
      %or3A_318 = arith.ori %gt3A_314, %and3A_317 : vector<16xi1>
      %select_n3A_319 = arith.select %or3A_318, %get3A_309, %select_n3A_304 : vector<16xi1>, vector<16xf32>
      %select_n3A_320 = arith.select %or3A_318, %get3A_313, %select_n3A_305 : vector<16xi1>, vector<16xi32>
      %get3A_321 = arith.constant 3 : i32
      %get3A_322 = arith.index_cast %get3A_321 : i32 to index
      %get3A_323 = arith.constant 48 : index
      %get3A_324 = tpu.vector_load %arg10[%get3A_322, %get3A_323] {strides = array<i32>} : memref<4x128xf32, #tpu.memory_space<vmem>>, vector<16xf32>,
      %get3A_325 = arith.constant 3 : i32
      %get3A_326 = arith.index_cast %get3A_325 : i32 to index
      %get3A_327 = arith.constant 48 : index
      %get3A_328 = tpu.vector_load %arg11[%get3A_326, %get3A_327] {strides = array<i32>} : memref<4x128xi32, #tpu.memory_space<vmem>>, vector<16xi32>,
      %gt3A_329 = arith.cmpf ogt, %get3A_324, %select_n3A_319 : vector<16xf32>
      %eq3A_330 = arith.cmpf oeq, %get3A_324, %select_n3A_319 : vector<16xf32>
      %lt3A_331 = arith.cmpi slt, %get3A_328, %select_n3A_320 : vector<16xi32>
      %and3A_332 = arith.andi %eq3A_330, %lt3A_331 : vector<16xi1>
      %or3A_333 = arith.ori %gt3A_329, %and3A_332 : vector<16xi1>
      %select_n3A_334 = arith.select %or3A_333, %get3A_324, %select_n3A_319 : vector<16xi1>, vector<16xf32>
      %select_n3A_335 = arith.select %or3A_333, %get3A_328, %select_n3A_320 : vector<16xi1>, vector<16xi32>
      %swap3A_336 = arith.constant 48 : index
      %swap3A_337 = tpu.vector_load %arg12[%swap3A_336] {strides = array<i32>} : memref<128xi32, #tpu.memory_space<vmem>>, vector<16xi32>,
      tpu.vector_store %arg12[%swap3A_336], %select_n3A_335 {strides = array<i32>} : memref<128xi32, #tpu.memory_space<vmem>>, vector<16xi32>,
      %get3A_338 = arith.constant 0 : i32
      %get3A_339 = arith.index_cast %get3A_338 : i32 to index
      %get3A_340 = arith.constant 64 : index
      %get3A_341 = tpu.vector_load %arg10[%get3A_339, %get3A_340] {strides = array<i32>} : memref<4x128xf32, #tpu.memory_space<vmem>>, vector<16xf32>,
      %get3A_342 = arith.constant 0 : i32
      %get3A_343 = arith.index_cast %get3A_342 : i32 to index
      %get3A_344 = arith.constant 64 : index
      %get3A_345 = tpu.vector_load %arg11[%get3A_343, %get3A_344] {strides = array<i32>} : memref<4x128xi32, #tpu.memory_space<vmem>>, vector<16xi32>,
      %get3A_346 = arith.constant 1 : i32
      %get3A_347 = arith.index_cast %get3A_346 : i32 to index
      %get3A_348 = arith.constant 64 : index
      %get3A_349 = tpu.vector_load %arg10[%get3A_347, %get3A_348] {strides = array<i32>} : memref<4x128xf32, #tpu.memory_space<vmem>>, vector<16xf32>,
      %get3A_350 = arith.constant 1 : i32
      %get3A_351 = arith.index_cast %get3A_350 : i32 to index
      %get3A_352 = arith.constant 64 : index
      %get3A_353 = tpu.vector_load %arg11[%get3A_351, %get3A_352] {strides = array<i32>} : memref<4x128xi32, #tpu.memory_space<vmem>>, vector<16xi32>,
      %gt3A_354 = arith.cmpf ogt, %get3A_349, %get3A_341 : vector<16xf32>
      %eq3A_355 = arith.cmpf oeq, %get3A_349, %get3A_341 : vector<16xf32>
      %lt3A_356 = arith.cmpi slt, %get3A_353, %get3A_345 : vector<16xi32>
      %and3A_357 = arith.andi %eq3A_355, %lt3A_356 : vector<16xi1>
      %or3A_358 = arith.ori %gt3A_354, %and3A_357 : vector<16xi1>
      %select_n3A_359 = arith.select %or3A_358, %get3A_349, %get3A_341 : vector<16xi1>, vector<16xf32>
      %select_n3A_360 = arith.select %or3A_358, %get3A_353, %get3A_345 : vector<16xi1>, vector<16xi32>
      %get3A_361 = arith.constant 2 : i32
      %get3A_362 = arith.index_cast %get3A_361 : i32 to index
      %get3A_363 = arith.constant 64 : index
      %get3A_364 = tpu.vector_load %arg10[%get3A_362, %get3A_363] {strides = array<i32>} : memref<4x128xf32, #tpu.memory_space<vmem>>, vector<16xf32>,
      %get3A_365 = arith.constant 2 : i32
      %get3A_366 = arith.index_cast %get3A_365 : i32 to index
      %get3A_367 = arith.constant 64 : index
      %get3A_368 = tpu.vector_load %arg11[%get3A_366, %get3A_367] {strides = array<i32>} : memref<4x128xi32, #tpu.memory_space<vmem>>, vector<16xi32>,
      %gt3A_369 = arith.cmpf ogt, %get3A_364, %select_n3A_359 : vector<16xf32>
      %eq3A_370 = arith.cmpf oeq, %get3A_364, %select_n3A_359 : vector<16xf32>
      %lt3A_371 = arith.cmpi slt, %get3A_368, %select_n3A_360 : vector<16xi32>
      %and3A_372 = arith.andi %eq3A_370, %lt3A_371 : vector<16xi1>
      %or3A_373 = arith.ori %gt3A_369, %and3A_372 : vector<16xi1>
      %select_n3A_374 = arith.select %or3A_373, %get3A_364, %select_n3A_359 : vector<16xi1>, vector<16xf32>
      %select_n3A_375 = arith.select %or3A_373, %get3A_368, %select_n3A_360 : vector<16xi1>, vector<16xi32>
      %get3A_376 = arith.constant 3 : i32
      %get3A_377 = arith.index_cast %get3A_376 : i32 to index
      %get3A_378 = arith.constant 64 : index
      %get3A_379 = tpu.vector_load %arg10[%get3A_377, %get3A_378] {strides = array<i32>} : memref<4x128xf32, #tpu.memory_space<vmem>>, vector<16xf32>,
      %get3A_380 = arith.constant 3 : i32
      %get3A_381 = arith.index_cast %get3A_380 : i32 to index
      %get3A_382 = arith.constant 64 : index
      %get3A_383 = tpu.vector_load %arg11[%get3A_381, %get3A_382] {strides = array<i32>} : memref<4x128xi32, #tpu.memory_space<vmem>>, vector<16xi32>,
      %gt3A_384 = arith.cmpf ogt, %get3A_379, %select_n3A_374 : vector<16xf32>
      %eq3A_385 = arith.cmpf oeq, %get3A_379, %select_n3A_374 : vector<16xf32>
      %lt3A_386 = arith.cmpi slt, %get3A_383, %select_n3A_375 : vector<16xi32>
      %and3A_387 = arith.andi %eq3A_385, %lt3A_386 : vector<16xi1>
      %or3A_388 = arith.ori %gt3A_384, %and3A_387 : vector<16xi1>
      %select_n3A_389 = arith.select %or3A_388, %get3A_379, %select_n3A_374 : vector<16xi1>, vector<16xf32>
      %select_n3A_390 = arith.select %or3A_388, %get3A_383, %select_n3A_375 : vector<16xi1>, vector<16xi32>
      %swap3A_391 = arith.constant 64 : index
      %swap3A_392 = tpu.vector_load %arg12[%swap3A_391] {strides = array<i32>} : memref<128xi32, #tpu.memory_space<vmem>>, vector<16xi32>,
      tpu.vector_store %arg12[%swap3A_391], %select_n3A_390 {strides = array<i32>} : memref<128xi32, #tpu.memory_space<vmem>>, vector<16xi32>,
      %get3A_393 = arith.constant 0 : i32
      %get3A_394 = arith.index_cast %get3A_393 : i32 to index
      %get3A_395 = arith.constant 80 : index
      %get3A_396 = tpu.vector_load %arg10[%get3A_394, %get3A_395] {strides = array<i32>} : memref<4x128xf32, #tpu.memory_space<vmem>>, vector<16xf32>,
      %get3A_397 = arith.constant 0 : i32
      %get3A_398 = arith.index_cast %get3A_397 : i32 to index
      %get3A_399 = arith.constant 80 : index
      %get3A_400 = tpu.vector_load %arg11[%get3A_398, %get3A_399] {strides = array<i32>} : memref<4x128xi32, #tpu.memory_space<vmem>>, vector<16xi32>,
      %get3A_401 = arith.constant 1 : i32
      %get3A_402 = arith.index_cast %get3A_401 : i32 to index
      %get3A_403 = arith.constant 80 : index
      %get3A_404 = tpu.vector_load %arg10[%get3A_402, %get3A_403] {strides = array<i32>} : memref<4x128xf32, #tpu.memory_space<vmem>>, vector<16xf32>,
      %get3A_405 = arith.constant 1 : i32
      %get3A_406 = arith.index_cast %get3A_405 : i32 to index
      %get3A_407 = arith.constant 80 : index
      %get3A_408 = tpu.vector_load %arg11[%get3A_406, %get3A_407] {strides = array<i32>} : memref<4x128xi32, #tpu.memory_space<vmem>>, vector<16xi32>,
      %gt3A_409 = arith.cmpf ogt, %get3A_404, %get3A_396 : vector<16xf32>
      %eq3A_410 = arith.cmpf oeq, %get3A_404, %get3A_396 : vector<16xf32>
      %lt3A_411 = arith.cmpi slt, %get3A_408, %get3A_400 : vector<16xi32>
      %and3A_412 = arith.andi %eq3A_410, %lt3A_411 : vector<16xi1>
      %or3A_413 = arith.ori %gt3A_409, %and3A_412 : vector<16xi1>
      %select_n3A_414 = arith.select %or3A_413, %get3A_404, %get3A_396 : vector<16xi1>, vector<16xf32>
      %select_n3A_415 = arith.select %or3A_413, %get3A_408, %get3A_400 : vector<16xi1>, vector<16xi32>
      %get3A_416 = arith.constant 2 : i32
      %get3A_417 = arith.index_cast %get3A_416 : i32 to index
      %get3A_418 = arith.constant 80 : index
      %get3A_419 = tpu.vector_load %arg10[%get3A_417, %get3A_418] {strides = array<i32>} : memref<4x128xf32, #tpu.memory_space<vmem>>, vector<16xf32>,
      %get3A_420 = arith.constant 2 : i32
      %get3A_421 = arith.index_cast %get3A_420 : i32 to index
      %get3A_422 = arith.constant 80 : index
      %get3A_423 = tpu.vector_load %arg11[%get3A_421, %get3A_422] {strides = array<i32>} : memref<4x128xi32, #tpu.memory_space<vmem>>, vector<16xi32>,
      %gt3A_424 = arith.cmpf ogt, %get3A_419, %select_n3A_414 : vector<16xf32>
      %eq3A_425 = arith.cmpf oeq, %get3A_419, %select_n3A_414 : vector<16xf32>
      %lt3A_426 = arith.cmpi slt, %get3A_423, %select_n3A_415 : vector<16xi32>
      %and3A_427 = arith.andi %eq3A_425, %lt3A_426 : vector<16xi1>
      %or3A_428 = arith.ori %gt3A_424, %and3A_427 : vector<16xi1>
      %select_n3A_429 = arith.select %or3A_428, %get3A_419, %select_n3A_414 : vector<16xi1>, vector<16xf32>
      %select_n3A_430 = arith.select %or3A_428, %get3A_423, %select_n3A_415 : vector<16xi1>, vector<16xi32>
      %get3A_431 = arith.constant 3 : i32
      %get3A_432 = arith.index_cast %get3A_431 : i32 to index
      %get3A_433 = arith.constant 80 : index
      %get3A_434 = tpu.vector_load %arg10[%get3A_432, %get3A_433] {strides = array<i32>} : memref<4x128xf32, #tpu.memory_space<vmem>>, vector<16xf32>,
      %get3A_435 = arith.constant 3 : i32
      %get3A_436 = arith.index_cast %get3A_435 : i32 to index
      %get3A_437 = arith.constant 80 : index
      %get3A_438 = tpu.vector_load %arg11[%get3A_436, %get3A_437] {strides = array<i32>} : memref<4x128xi32, #tpu.memory_space<vmem>>, vector<16xi32>,
      %gt3A_439 = arith.cmpf ogt, %get3A_434, %select_n3A_429 : vector<16xf32>
      %eq3A_440 = arith.cmpf oeq, %get3A_434, %select_n3A_429 : vector<16xf32>
      %lt3A_441 = arith.cmpi slt, %get3A_438, %select_n3A_430 : vector<16xi32>
      %and3A_442 = arith.andi %eq3A_440, %lt3A_441 : vector<16xi1>
      %or3A_443 = arith.ori %gt3A_439, %and3A_442 : vector<16xi1>
      %select_n3A_444 = arith.select %or3A_443, %get3A_434, %select_n3A_429 : vector<16xi1>, vector<16xf32>
      %select_n3A_445 = arith.select %or3A_443, %get3A_438, %select_n3A_430 : vector<16xi1>, vector<16xi32>
      %swap3A_446 = arith.constant 80 : index
      %swap3A_447 = tpu.vector_load %arg12[%swap3A_446] {strides = array<i32>} : memref<128xi32, #tpu.memory_space<vmem>>, vector<16xi32>,
      tpu.vector_store %arg12[%swap3A_446], %select_n3A_445 {strides = array<i32>} : memref<128xi32, #tpu.memory_space<vmem>>, vector<16xi32>,
      %get3A_448 = arith.constant 0 : i32
      %get3A_449 = arith.index_cast %get3A_448 : i32 to index
      %get3A_450 = arith.constant 96 : index
      %get3A_451 = tpu.vector_load %arg10[%get3A_449, %get3A_450] {strides = array<i32>} : memref<4x128xf32, #tpu.memory_space<vmem>>, vector<16xf32>,
      %get3A_452 = arith.constant 0 : i32
      %get3A_453 = arith.index_cast %get3A_452 : i32 to index
      %get3A_454 = arith.constant 96 : index
      %get3A_455 = tpu.vector_load %arg11[%get3A_453, %get3A_454] {strides = array<i32>} : memref<4x128xi32, #tpu.memory_space<vmem>>, vector<16xi32>,
      %get3A_456 = arith.constant 1 : i32
      %get3A_457 = arith.index_cast %get3A_456 : i32 to index
      %get3A_458 = arith.constant 96 : index
      %get3A_459 = tpu.vector_load %arg10[%get3A_457, %get3A_458] {strides = array<i32>} : memref<4x128xf32, #tpu.memory_space<vmem>>, vector<16xf32>,
      %get3A_460 = arith.constant 1 : i32
      %get3A_461 = arith.index_cast %get3A_460 : i32 to index
      %get3A_462 = arith.constant 96 : index
      %get3A_463 = tpu.vector_load %arg11[%get3A_461, %get3A_462] {strides = array<i32>} : memref<4x128xi32, #tpu.memory_space<vmem>>, vector<16xi32>,
      %gt3A_464 = arith.cmpf ogt, %get3A_459, %get3A_451 : vector<16xf32>
      %eq3A_465 = arith.cmpf oeq, %get3A_459, %get3A_451 : vector<16xf32>
      %lt3A_466 = arith.cmpi slt, %get3A_463, %get3A_455 : vector<16xi32>
      %and3A_467 = arith.andi %eq3A_465, %lt3A_466 : vector<16xi1>
      %or3A_468 = arith.ori %gt3A_464, %and3A_467 : vector<16xi1>
      %select_n3A_469 = arith.select %or3A_468, %get3A_459, %get3A_451 : vector<16xi1>, vector<16xf32>
      %select_n3A_470 = arith.select %or3A_468, %get3A_463, %get3A_455 : vector<16xi1>, vector<16xi32>
      %get3A_471 = arith.constant 2 : i32
      %get3A_472 = arith.index_cast %get3A_471 : i32 to index
      %get3A_473 = arith.constant 96 : index
      %get3A_474 = tpu.vector_load %arg10[%get3A_472, %get3A_473] {strides = array<i32>} : memref<4x128xf32, #tpu.memory_space<vmem>>, vector<16xf32>,
      %get3A_475 = arith.constant 2 : i32
      %get3A_476 = arith.index_cast %get3A_475 : i32 to index
      %get3A_477 = arith.constant 96 : index
      %get3A_478 = tpu.vector_load %arg11[%get3A_476, %get3A_477] {strides = array<i32>} : memref<4x128xi32, #tpu.memory_space<vmem>>, vector<16xi32>,
      %gt3A_479 = arith.cmpf ogt, %get3A_474, %select_n3A_469 : vector<16xf32>
      %eq3A_480 = arith.cmpf oeq, %get3A_474, %select_n3A_469 : vector<16xf32>
      %lt3A_481 = arith.cmpi slt, %get3A_478, %select_n3A_470 : vector<16xi32>
      %and3A_482 = arith.andi %eq3A_480, %lt3A_481 : vector<16xi1>
      %or3A_483 = arith.ori %gt3A_479, %and3A_482 : vector<16xi1>
      %select_n3A_484 = arith.select %or3A_483, %get3A_474, %select_n3A_469 : vector<16xi1>, vector<16xf32>
      %select_n3A_485 = arith.select %or3A_483, %get3A_478, %select_n3A_470 : vector<16xi1>, vector<16xi32>
      %get3A_486 = arith.constant 3 : i32
      %get3A_487 = arith.index_cast %get3A_486 : i32 to index
      %get3A_488 = arith.constant 96 : index
      %get3A_489 = tpu.vector_load %arg10[%get3A_487, %get3A_488] {strides = array<i32>} : memref<4x128xf32, #tpu.memory_space<vmem>>, vector<16xf32>,
      %get3A_490 = arith.constant 3 : i32
      %get3A_491 = arith.index_cast %get3A_490 : i32 to index
      %get3A_492 = arith.constant 96 : index
      %get3A_493 = tpu.vector_load %arg11[%get3A_491, %get3A_492] {strides = array<i32>} : memref<4x128xi32, #tpu.memory_space<vmem>>, vector<16xi32>,
      %gt3A_494 = arith.cmpf ogt, %get3A_489, %select_n3A_484 : vector<16xf32>
      %eq3A_495 = arith.cmpf oeq, %get3A_489, %select_n3A_484 : vector<16xf32>
      %lt3A_496 = arith.cmpi slt, %get3A_493, %select_n3A_485 : vector<16xi32>
      %and3A_497 = arith.andi %eq3A_495, %lt3A_496 : vector<16xi1>
      %or3A_498 = arith.ori %gt3A_494, %and3A_497 : vector<16xi1>
      %select_n3A_499 = arith.select %or3A_498, %get3A_489, %select_n3A_484 : vector<16xi1>, vector<16xf32>
      %select_n3A_500 = arith.select %or3A_498, %get3A_493, %select_n3A_485 : vector<16xi1>, vector<16xi32>
      %swap3A_501 = arith.constant 96 : index
      %swap3A_502 = tpu.vector_load %arg12[%swap3A_501] {strides = array<i32>} : memref<128xi32, #tpu.memory_space<vmem>>, vector<16xi32>,
      tpu.vector_store %arg12[%swap3A_501], %select_n3A_500 {strides = array<i32>} : memref<128xi32, #tpu.memory_space<vmem>>, vector<16xi32>,
      %get3A_503 = arith.constant 0 : i32
      %get3A_504 = arith.index_cast %get3A_503 : i32 to index
      %get3A_505 = arith.constant 112 : index
      %get3A_506 = tpu.vector_load %arg10[%get3A_504, %get3A_505] {strides = array<i32>} : memref<4x128xf32, #tpu.memory_space<vmem>>, vector<16xf32>,
      %get3A_507 = arith.constant 0 : i32
      %get3A_508 = arith.index_cast %get3A_507 : i32 to index
      %get3A_509 = arith.constant 112 : index
      %get3A_510 = tpu.vector_load %arg11[%get3A_508, %get3A_509] {strides = array<i32>} : memref<4x128xi32, #tpu.memory_space<vmem>>, vector<16xi32>,
      %get3A_511 = arith.constant 1 : i32
      %get3A_512 = arith.index_cast %get3A_511 : i32 to index
      %get3A_513 = arith.constant 112 : index
      %get3A_514 = tpu.vector_load %arg10[%get3A_512, %get3A_513] {strides = array<i32>} : memref<4x128xf32, #tpu.memory_space<vmem>>, vector<16xf32>,
      %get3A_515 = arith.constant 1 : i32
      %get3A_516 = arith.index_cast %get3A_515 : i32 to index
      %get3A_517 = arith.constant 112 : index
      %get3A_518 = tpu.vector_load %arg11[%get3A_516, %get3A_517] {strides = array<i32>} : memref<4x128xi32, #tpu.memory_space<vmem>>, vector<16xi32>,
      %gt3A_519 = arith.cmpf ogt, %get3A_514, %get3A_506 : vector<16xf32>
      %eq3A_520 = arith.cmpf oeq, %get3A_514, %get3A_506 : vector<16xf32>
      %lt3A_521 = arith.cmpi slt, %get3A_518, %get3A_510 : vector<16xi32>
      %and3A_522 = arith.andi %eq3A_520, %lt3A_521 : vector<16xi1>
      %or3A_523 = arith.ori %gt3A_519, %and3A_522 : vector<16xi1>
      %select_n3A_524 = arith.select %or3A_523, %get3A_514, %get3A_506 : vector<16xi1>, vector<16xf32>
      %select_n3A_525 = arith.select %or3A_523, %get3A_518, %get3A_510 : vector<16xi1>, vector<16xi32>
      %get3A_526 = arith.constant 2 : i32
      %get3A_527 = arith.index_cast %get3A_526 : i32 to index
      %get3A_528 = arith.constant 112 : index
      %get3A_529 = tpu.vector_load %arg10[%get3A_527, %get3A_528] {strides = array<i32>} : memref<4x128xf32, #tpu.memory_space<vmem>>, vector<16xf32>,
      %get3A_530 = arith.constant 2 : i32
      %get3A_531 = arith.index_cast %get3A_530 : i32 to index
      %get3A_532 = arith.constant 112 : index
      %get3A_533 = tpu.vector_load %arg11[%get3A_531, %get3A_532] {strides = array<i32>} : memref<4x128xi32, #tpu.memory_space<vmem>>, vector<16xi32>,
      %gt3A_534 = arith.cmpf ogt, %get3A_529, %select_n3A_524 : vector<16xf32>
      %eq3A_535 = arith.cmpf oeq, %get3A_529, %select_n3A_524 : vector<16xf32>
      %lt3A_536 = arith.cmpi slt, %get3A_533, %select_n3A_525 : vector<16xi32>
      %and3A_537 = arith.andi %eq3A_535, %lt3A_536 : vector<16xi1>
      %or3A_538 = arith.ori %gt3A_534, %and3A_537 : vector<16xi1>
      %select_n3A_539 = arith.select %or3A_538, %get3A_529, %select_n3A_524 : vector<16xi1>, vector<16xf32>
      %select_n3A_540 = arith.select %or3A_538, %get3A_533, %select_n3A_525 : vector<16xi1>, vector<16xi32>
      %get3A_541 = arith.constant 3 : i32
      %get3A_542 = arith.index_cast %get3A_541 : i32 to index
      %get3A_543 = arith.constant 112 : index
      %get3A_544 = tpu.vector_load %arg10[%get3A_542, %get3A_543] {strides = array<i32>} : memref<4x128xf32, #tpu.memory_space<vmem>>, vector<16xf32>,
      %get3A_545 = arith.constant 3 : i32
      %get3A_546 = arith.index_cast %get3A_545 : i32 to index
      %get3A_547 = arith.constant 112 : index
      %get3A_548 = tpu.vector_load %arg11[%get3A_546, %get3A_547] {strides = array<i32>} : memref<4x128xi32, #tpu.memory_space<vmem>>, vector<16xi32>,
      %gt3A_549 = arith.cmpf ogt, %get3A_544, %select_n3A_539 : vector<16xf32>
      %eq3A_550 = arith.cmpf oeq, %get3A_544, %select_n3A_539 : vector<16xf32>
      %lt3A_551 = arith.cmpi slt, %get3A_548, %select_n3A_540 : vector<16xi32>
      %and3A_552 = arith.andi %eq3A_550, %lt3A_551 : vector<16xi1>
      %or3A_553 = arith.ori %gt3A_549, %and3A_552 : vector<16xi1>
      %select_n3A_554 = arith.select %or3A_553, %get3A_544, %select_n3A_539 : vector<16xi1>, vector<16xf32>
      %select_n3A_555 = arith.select %or3A_553, %get3A_548, %select_n3A_540 : vector<16xi1>, vector<16xi32>
      %swap3A_556 = arith.constant 112 : index
      %swap3A_557 = tpu.vector_load %arg12[%swap3A_556] {strides = array<i32>} : memref<128xi32, #tpu.memory_space<vmem>>, vector<16xi32>,
      tpu.vector_store %arg12[%swap3A_556], %select_n3A_555 {strides = array<i32>} : memref<128xi32, #tpu.memory_space<vmem>>, vector<16xi32>,
      "tpu.region"() ({
        %run_scoped3A = tpu.sem_alloc : memref<!tpu.dma_semaphore, #tpu.memory_space<semaphore_mem>>
        %dma_start3A_603 = arith.constant 0 : i32
        %dma_start3A_604 = arith.constant 0 : i32
        %dma_start3A_605 = tpu.memref_slice %arg3[%dma_start3A_603, %dma_start3A_604] : memref<100000x128xf32, #tpu.memory_space<hbm>> -> memref<100000x128xf32, #tpu.memory_space<hbm>>
        tpu.enqueue_indirect_dma source(%dma_start3A_605 : memref<100000x128xf32, #tpu.memory_space<hbm>>) target(%arg13 : memref<128x128xf32, #tpu.memory_space<vmem>>) offsets(%arg12 : memref<128xi32, #tpu.memory_space<vmem>>) semaphore(%run_scoped3A : memref<!tpu.dma_semaphore, #tpu.memory_space<semaphore_mem>>)
        %dma_wait3A_606 = arith.constant 0 : i32
        %dma_wait3A_607 = arith.constant 0 : i32
        %dma_wait3A_608 = tpu.memref_slice %arg3[%dma_wait3A_606, %dma_wait3A_607] : memref<100000x128xf32, #tpu.memory_space<hbm>> -> memref<100000x128xf32, #tpu.memory_space<hbm>>
        tpu.wait_indirect_dma semaphore(%run_scoped3A : memref<!tpu.dma_semaphore, #tpu.memory_space<semaphore_mem>>) src(%dma_wait3A_608 : memref<100000x128xf32, #tpu.memory_space<hbm>>) dst(%arg13 : memref<128x128xf32, #tpu.memory_space<vmem>>)
        tpu.yield
      }) : () -> ()
      %broadcast_in_dim3A_558 = arith.constant true
      %broadcast_in_dim3A_559 = vector.broadcast %broadcast_in_dim3A_558 : i1 to vector<16xi1>
      %broadcast_in_dim3A_560 = arith.constant 0 : i32
      %broadcast_in_dim3A_561 = vector.broadcast %broadcast_in_dim3A_560 : i32 to vector<16xi32>
      %broadcast_in_dim3A_562 = arith.constant 1 : i32
      %broadcast_in_dim3A_563 = vector.broadcast %broadcast_in_dim3A_562 : i32 to vector<16xi32>
      %broadcast_in_dim3A_564 = arith.constant 0 : i32
      %broadcast_in_dim3A_565 = vector.broadcast %broadcast_in_dim3A_564 : i32 to vector<16xi32>
      %add3A_566 = arith.addi %iota3A, %broadcast_in_dim3A_565 : vector<16xi32>
      %gather3A = tpu.vector_load_idx %arg13[%add3A_566, %broadcast_in_dim3A_561] : memref<128x128xf32, #tpu.memory_space<vmem>>[vector<16xi32>, vector<16xi32>], vector<16xf32>,
      %gather3A_567 = tpu.vector_load_idx %arg13[%add3A_566, %broadcast_in_dim3A_563] : memref<128x128xf32, #tpu.memory_space<vmem>>[vector<16xi32>, vector<16xi32>], vector<16xf32>,
      tpu.vector_store_idx %arg14[%add3A_566, %broadcast_in_dim3A_561], %gather3A masked %broadcast_in_dim3A_559 : memref<128x2xf32, #tpu.memory_space<vmem>>[vector<16xi32>, vector<16xi32>], vector<16xf32>, vector<16xi1>
      tpu.vector_store_idx %arg14[%add3A_566, %broadcast_in_dim3A_563], %gather3A_567 masked %broadcast_in_dim3A_559 : memref<128x2xf32, #tpu.memory_space<vmem>>[vector<16xi32>, vector<16xi32>], vector<16xf32>, vector<16xi1>
      %broadcast_in_dim3A_568 = arith.constant 16 : i32
      %broadcast_in_dim3A_569 = vector.broadcast %broadcast_in_dim3A_568 : i32 to vector<16xi32>
      %add3A_570 = arith.addi %iota3A, %broadcast_in_dim3A_569 : vector<16xi32>
      %gather3A_571 = tpu.vector_load_idx %arg13[%add3A_570, %broadcast_in_dim3A_561] : memref<128x128xf32, #tpu.memory_space<vmem>>[vector<16xi32>, vector<16xi32>], vector<16xf32>,
      %gather3A_572 = tpu.vector_load_idx %arg13[%add3A_570, %broadcast_in_dim3A_563] : memref<128x128xf32, #tpu.memory_space<vmem>>[vector<16xi32>, vector<16xi32>], vector<16xf32>,
      tpu.vector_store_idx %arg14[%add3A_570, %broadcast_in_dim3A_561], %gather3A_571 masked %broadcast_in_dim3A_559 : memref<128x2xf32, #tpu.memory_space<vmem>>[vector<16xi32>, vector<16xi32>], vector<16xf32>, vector<16xi1>
      tpu.vector_store_idx %arg14[%add3A_570, %broadcast_in_dim3A_563], %gather3A_572 masked %broadcast_in_dim3A_559 : memref<128x2xf32, #tpu.memory_space<vmem>>[vector<16xi32>, vector<16xi32>], vector<16xf32>, vector<16xi1>
      %broadcast_in_dim3A_573 = arith.constant 32 : i32
      %broadcast_in_dim3A_574 = vector.broadcast %broadcast_in_dim3A_573 : i32 to vector<16xi32>
      %add3A_575 = arith.addi %iota3A, %broadcast_in_dim3A_574 : vector<16xi32>
      %gather3A_576 = tpu.vector_load_idx %arg13[%add3A_575, %broadcast_in_dim3A_561] : memref<128x128xf32, #tpu.memory_space<vmem>>[vector<16xi32>, vector<16xi32>], vector<16xf32>,
      %gather3A_577 = tpu.vector_load_idx %arg13[%add3A_575, %broadcast_in_dim3A_563] : memref<128x128xf32, #tpu.memory_space<vmem>>[vector<16xi32>, vector<16xi32>], vector<16xf32>,
      tpu.vector_store_idx %arg14[%add3A_575, %broadcast_in_dim3A_561], %gather3A_576 masked %broadcast_in_dim3A_559 : memref<128x2xf32, #tpu.memory_space<vmem>>[vector<16xi32>, vector<16xi32>], vector<16xf32>, vector<16xi1>
      tpu.vector_store_idx %arg14[%add3A_575, %broadcast_in_dim3A_563], %gather3A_577 masked %broadcast_in_dim3A_559 : memref<128x2xf32, #tpu.memory_space<vmem>>[vector<16xi32>, vector<16xi32>], vector<16xf32>, vector<16xi1>
      %broadcast_in_dim3A_578 = arith.constant 48 : i32
      %broadcast_in_dim3A_579 = vector.broadcast %broadcast_in_dim3A_578 : i32 to vector<16xi32>
      %add3A_580 = arith.addi %iota3A, %broadcast_in_dim3A_579 : vector<16xi32>
      %gather3A_581 = tpu.vector_load_idx %arg13[%add3A_580, %broadcast_in_dim3A_561] : memref<128x128xf32, #tpu.memory_space<vmem>>[vector<16xi32>, vector<16xi32>], vector<16xf32>,
      %gather3A_582 = tpu.vector_load_idx %arg13[%add3A_580, %broadcast_in_dim3A_563] : memref<128x128xf32, #tpu.memory_space<vmem>>[vector<16xi32>, vector<16xi32>], vector<16xf32>,
      tpu.vector_store_idx %arg14[%add3A_580, %broadcast_in_dim3A_561], %gather3A_581 masked %broadcast_in_dim3A_559 : memref<128x2xf32, #tpu.memory_space<vmem>>[vector<16xi32>, vector<16xi32>], vector<16xf32>, vector<16xi1>
      tpu.vector_store_idx %arg14[%add3A_580, %broadcast_in_dim3A_563], %gather3A_582 masked %broadcast_in_dim3A_559 : memref<128x2xf32, #tpu.memory_space<vmem>>[vector<16xi32>, vector<16xi32>], vector<16xf32>, vector<16xi1>
      %broadcast_in_dim3A_583 = arith.constant 64 : i32
      %broadcast_in_dim3A_584 = vector.broadcast %broadcast_in_dim3A_583 : i32 to vector<16xi32>
      %add3A_585 = arith.addi %iota3A, %broadcast_in_dim3A_584 : vector<16xi32>
      %gather3A_586 = tpu.vector_load_idx %arg13[%add3A_585, %broadcast_in_dim3A_561] : memref<128x128xf32, #tpu.memory_space<vmem>>[vector<16xi32>, vector<16xi32>], vector<16xf32>,
      %gather3A_587 = tpu.vector_load_idx %arg13[%add3A_585, %broadcast_in_dim3A_563] : memref<128x128xf32, #tpu.memory_space<vmem>>[vector<16xi32>, vector<16xi32>], vector<16xf32>,
      tpu.vector_store_idx %arg14[%add3A_585, %broadcast_in_dim3A_561], %gather3A_586 masked %broadcast_in_dim3A_559 : memref<128x2xf32, #tpu.memory_space<vmem>>[vector<16xi32>, vector<16xi32>], vector<16xf32>, vector<16xi1>
      tpu.vector_store_idx %arg14[%add3A_585, %broadcast_in_dim3A_563], %gather3A_587 masked %broadcast_in_dim3A_559 : memref<128x2xf32, #tpu.memory_space<vmem>>[vector<16xi32>, vector<16xi32>], vector<16xf32>, vector<16xi1>
      %broadcast_in_dim3A_588 = arith.constant 80 : i32
      %broadcast_in_dim3A_589 = vector.broadcast %broadcast_in_dim3A_588 : i32 to vector<16xi32>
      %add3A_590 = arith.addi %iota3A, %broadcast_in_dim3A_589 : vector<16xi32>
      %gather3A_591 = tpu.vector_load_idx %arg13[%add3A_590, %broadcast_in_dim3A_561] : memref<128x128xf32, #tpu.memory_space<vmem>>[vector<16xi32>, vector<16xi32>], vector<16xf32>,
      %gather3A_592 = tpu.vector_load_idx %arg13[%add3A_590, %broadcast_in_dim3A_563] : memref<128x128xf32, #tpu.memory_space<vmem>>[vector<16xi32>, vector<16xi32>], vector<16xf32>,
      tpu.vector_store_idx %arg14[%add3A_590, %broadcast_in_dim3A_561], %gather3A_591 masked %broadcast_in_dim3A_559 : memref<128x2xf32, #tpu.memory_space<vmem>>[vector<16xi32>, vector<16xi32>], vector<16xf32>, vector<16xi1>
      tpu.vector_store_idx %arg14[%add3A_590, %broadcast_in_dim3A_563], %gather3A_592 masked %broadcast_in_dim3A_559 : memref<128x2xf32, #tpu.memory_space<vmem>>[vector<16xi32>, vector<16xi32>], vector<16xf32>, vector<16xi1>
      %broadcast_in_dim3A_593 = arith.constant 96 : i32
      %broadcast_in_dim3A_594 = vector.broadcast %broadcast_in_dim3A_593 : i32 to vector<16xi32>
      %add3A_595 = arith.addi %iota3A, %broadcast_in_dim3A_594 : vector<16xi32>
      %gather3A_596 = tpu.vector_load_idx %arg13[%add3A_595, %broadcast_in_dim3A_561] : memref<128x128xf32, #tpu.memory_space<vmem>>[vector<16xi32>, vector<16xi32>], vector<16xf32>,
      %gather3A_597 = tpu.vector_load_idx %arg13[%add3A_595, %broadcast_in_dim3A_563] : memref<128x128xf32, #tpu.memory_space<vmem>>[vector<16xi32>, vector<16xi32>], vector<16xf32>,
      tpu.vector_store_idx %arg14[%add3A_595, %broadcast_in_dim3A_561], %gather3A_596 masked %broadcast_in_dim3A_559 : memref<128x2xf32, #tpu.memory_space<vmem>>[vector<16xi32>, vector<16xi32>], vector<16xf32>, vector<16xi1>
      tpu.vector_store_idx %arg14[%add3A_595, %broadcast_in_dim3A_563], %gather3A_597 masked %broadcast_in_dim3A_559 : memref<128x2xf32, #tpu.memory_space<vmem>>[vector<16xi32>, vector<16xi32>], vector<16xf32>, vector<16xi1>
      %broadcast_in_dim3A_598 = arith.constant 112 : i32
      %broadcast_in_dim3A_599 = vector.broadcast %broadcast_in_dim3A_598 : i32 to vector<16xi32>
      %add3A_600 = arith.addi %iota3A, %broadcast_in_dim3A_599 : vector<16xi32>
      %gather3A_601 = tpu.vector_load_idx %arg13[%add3A_600, %broadcast_in_dim3A_561] : memref<128x128xf32, #tpu.memory_space<vmem>>[vector<16xi32>, vector<16xi32>], vector<16xf32>,
      %gather3A_602 = tpu.vector_load_idx %arg13[%add3A_600, %broadcast_in_dim3A_563] : memref<128x128xf32, #tpu.memory_space<vmem>>[vector<16xi32>, vector<16xi32>], vector<16xf32>,
      tpu.vector_store_idx %arg14[%add3A_600, %broadcast_in_dim3A_561], %gather3A_601 masked %broadcast_in_dim3A_559 : memref<128x2xf32, #tpu.memory_space<vmem>>[vector<16xi32>, vector<16xi32>], vector<16xf32>, vector<16xi1>
      tpu.vector_store_idx %arg14[%add3A_600, %broadcast_in_dim3A_563], %gather3A_602 masked %broadcast_in_dim3A_559 : memref<128x2xf32, #tpu.memory_space<vmem>>[vector<16xi32>, vector<16xi32>], vector<16xf32>, vector<16xi1>
      "tpu.region"() ({
        %run_scoped3A = tpu.sem_alloc : memref<!tpu.dma_semaphore, #tpu.memory_space<semaphore_mem>>
        %dma_start3A_603 = arith.constant 0 : i32
        %dma_start3A_604 = tpu.memref_slice %arg5[%mul3A_34, %dma_start3A_603] : memref<1024x2xf32, #tpu.memory_space<hbm>> -> memref<128x2xf32, #tpu.memory_space<hbm>>
        %dma_start3A_605 = arith.constant 0 : i32
        %dma_start3A_606 = tpu.memref_slice %arg5[%mul3A_34, %dma_start3A_605] : memref<1024x2xf32, #tpu.memory_space<hbm>> -> memref<128x2xf32, #tpu.memory_space<hbm>>
        tpu.enqueue_dma source(%arg14 : memref<128x2xf32, #tpu.memory_space<vmem>>) target(%dma_start3A_606 : memref<128x2xf32, #tpu.memory_space<hbm>>) target_semaphore(%run_scoped3A : memref<!tpu.dma_semaphore, #tpu.memory_space<semaphore_mem>>)
        %dma_wait3A_607 = arith.constant 0 : i32
        %dma_wait3A_608 = tpu.memref_slice %arg5[%mul3A_34, %dma_wait3A_607] : memref<1024x2xf32, #tpu.memory_space<hbm>> -> memref<128x2xf32, #tpu.memory_space<hbm>>
        %dma_wait3A_609 = arith.constant 0 : i32
        %dma_wait3A_610 = tpu.memref_slice %arg5[%mul3A_34, %dma_wait3A_609] : memref<1024x2xf32, #tpu.memory_space<hbm>> -> memref<128x2xf32, #tpu.memory_space<hbm>>
        tpu.wait_dma2 semaphore(%run_scoped3A : memref<!tpu.dma_semaphore, #tpu.memory_space<semaphore_mem>>) src(%arg14 : memref<128x2xf32, #tpu.memory_space<vmem>>) dst(%dma_wait3A_610 : memref<128x2xf32, #tpu.memory_space<hbm>>)
        tpu.yield
      }) : () -> ()
    } else {
    }
    return
  }
}

</mosaic_0001>

<sc_bundles>
// kernel: kernel.3.cloned.1.call-start
scs
__scs_entry_jumppad:
0x0: {  	(pc) =	sbr.rel $0x88, $3  }
0x1: {  	(tag) =	ssettag $0x0;
	lr =	simm.s32 $0x1  }
0x2: {  	[smem:$0x3F9F] =	sst lr;
	_ =	strace $0xD0000000  }
0x3: {  	_ = 	snop  }
0x4: {  	_ = 	snop  }
0x5: {  	_ = 	snop  }
0x6: {  	_ = 	snop  }
0x7: {  	_ = 	snop  }
__scs_overlays_trampoline_lowered:
0x8: {  	[smem:$0x3FAE] =	sst s0  }
0x9: {  	[smem:$0x3FAF] =	sst s1  }
0xa: {  	[smem:$0x3FB0] =	sst s2  }
0xb: {  	[smem:$0x3FB1] =	sst s3  }
0xc: {  	[smem:$0x3FB2] =	sst s4  }
0xd: {  	[smem:$0x3FB3] =	sst s5  }
0xe: {  	[smem:$0x3FB4] =	sst s6  }
0xf: {  	[smem:$0x3FB5] =	sst s7  }
0x10: {  	[smem:$0x3FB6] =	sst s8  }
0x11: {  	[smem:$0x3FB7] =	sst s9;
	s0 =	simm.s32 @!p0 $0x0  }
0x12: {  	s1 =	sld [smem:$0x3F9D];
	s0 =	simm.s32 @p0 $0x1  }
0x13: {  	[smem:$0x3FB8] =	sst s0;
	s0 =	simm.s32 @!p1 $0x0  }
0x14: {  	s2 =	sld [smem:$0x3F9C];
	s0 =	simm.s32 @p1 $0x1  }
0x15: {  	[smem:$0x3FB9] =	sst s0;
	s0 =	simm.s32 @!p2 $0x0  }
0x16: {  	s3 =	sld [smem:$0x3FDB];
	s0 =	simm.s32 @p2 $0x1  }
0x17: {  	s4 =	simm.s32 $0x1BF5;
	[smem:$0x3FBB] =	sst s0  }
0x18: {  	s0 =	sld [smem:$0x3F9E];
	_ =	swait.ge [sflag:s4], $0x0  }
0x19: {  	s7 =	sld [smem:$0x3F9F]  }
0x1a: {  	s8 =	sadd.s32 $0xFFFFE003, lr  }
0x1b: {  	s9 =	sadd.s32 $0xFFFFFEF7, lr;
	s5 =	simm.s32 $0xFFFFFFFF;
	p2 =	slt.u32 s8, $0xFFFFF086  }
0x1c: {  	p1 =	slt.u32 s9, $0xF7A;
	s5 =	simm.s32 @!p2 $0x0  }
0x1d: {  	s5 =	simm.s32 @p1 $0x1;
	p0 =	seq.s32 s7, s2  }
0x1e: {  	s7 =	smul.u32 @!p0 $0xF7A, s2;
	p2 =	seq.s32 @!p0 s5, $0x0  }
0x1f: {  	s9 =	smul.u32 $0xF7A, s1;
	s8 =	simm.s32 @!p0 $0x1BF5;
	p2 =	por !p2, p0  }
0x20: {  	[sflag:s8] =	ssyncset.s32 @!p0 $0xFFFFF086;
	s6 =	sadd.s32 @!p0 s3, s7;
	s7 =	simm.s32 @!p0 $0x108  }
0x21: {  	s3 =	sadd.s32 s3, s9;
	s6 =	sadd.s32 @!p0 $0x88, s6;
	s7 =	simm.s32 @p2 $0x1082  }
0x22: {  	[simem:s7], [sflag:s8] =	dma.local @!p0 [hbm:s6], $0xF7A  }
0x23: {  	s9 =	sor.u32 $0xD0000000, s2;
	s6 =	simm.s32 $0x108;
	_ =	swait.ge @!p0 [sflag:s8], $0x0  }
0x24: {  	s3 =	sadd.s32 $0x88, s3;
	s6 =	simm.s32 @!p1 $0x1082;
	[sflag:s4] =	ssyncset.s32 $0xFFFFF086  }
0x25: {  	[simem:s6], [sflag:s4] =	dma.local [hbm:s3], $0xF7A  }
0x26: {  	[smem:$0x3F9F] =	sst s1;
	(tag) =	ssettag s2;
	_ =	strace s9  }
0x27: {  	s1 =	sld [smem:$0x3FAF]  }
0x28: {  	s2 =	sld [smem:$0x3FB0]  }
0x29: {  	s4 =	sld [smem:$0x3FB2]  }
0x2a: {  	p0 =	seq.s32 s5, $0x0;
	s5 =	sld [smem:$0x3FB3]  }
0x2b: {  	s6 =	sld [smem:$0x3FB4]  }
0x2c: {  	s7 =	sld [smem:$0x3FB5]  }
0x2d: {  	s3 =	simm.s32 $0x108;
	s8 =	sld [smem:$0x3FB6]  }
0x2e: {  	s3 =	simm.s32 @!p0 $0x1082;
	s9 =	sld [smem:$0x3FB7]  }
0x2f: {  	lr =	sadd.s32 s0, s3;
	s0 =	sld [smem:$0x3FAE]  }
0x30: {  	s3 =	sld [smem:$0x3FB1]  }
0x31: {  	[smem:$0x3FBA] =	sst s10  }
0x32: {  	s10 =	sld [smem:$0x3FB8];
	_ =	sdelay $0x3  }
0x33: {  	p0 =	seq.s32 s10, $0x1;
	s10 =	sld [smem:$0x3FBA];
	_ =	sdelay $0x3  }
0x34: {  	[smem:$0x3FBA] =	sst s10  }
0x35: {  	s10 =	sld [smem:$0x3FB9];
	_ =	sdelay $0x3  }
0x36: {  	p1 =	seq.s32 s10, $0x1;
	s10 =	sld [smem:$0x3FBA];
	_ =	sdelay $0x3  }
0x37: {  	[smem:$0x3FBA] =	sst s10  }
0x38: {  	s10 =	sld [smem:$0x3FBB]  }
0x39: {  	_ = 	snop;
	(pc) =	sbr.ind lr, $3  }
0x3a: {  	_ = 	snop  }
0x3b: {  	_ = 	snop  }
0x3c: {  	p2 =	seq.s32 s10, $0x1;
	s10 =	sld [smem:$0x3FBA]  }
0x3d: {  	_ =	shalt  }
0x3e: {  	_ =	shalt  }
0x3f: {  	_ =	shalt  }
0x40: {  	_ =	shalt  }
0x41: {  	_ =	shalt  }
0x42: {  	_ =	shalt  }
0x43: {  	_ =	shalt  }
0x44: {  	_ =	shalt  }
0x45: {  	_ =	shalt  }
0x46: {  	_ =	shalt  }
0x47: {  	_ =	shalt  }
0x48: {  	_ =	shalt  }
0x49: {  	_ =	shalt  }
0x4a: {  	_ =	shalt  }
0x4b: {  	_ =	shalt  }
0x4c: {  	_ =	shalt  }
0x4d: {  	_ =	shalt  }
0x4e: {  	_ =	shalt  }
0x4f: {  	_ =	shalt  }
0x50: {  	_ =	shalt  }
0x51: {  	_ =	shalt  }
0x52: {  	_ =	shalt  }
0x53: {  	_ =	shalt  }
0x54: {  	_ =	shalt  }
0x55: {  	_ =	shalt  }
0x56: {  	_ =	shalt  }
0x57: {  	_ =	shalt  }
0x58: {  	_ =	shalt  }
0x59: {  	_ =	shalt  }
0x5a: {  	_ =	shalt  }
0x5b: {  	_ =	shalt  }
0x5c: {  	_ =	shalt  }
0x5d: {  	_ =	shalt  }
0x5e: {  	_ =	shalt  }
0x5f: {  	_ =	shalt  }
0x60: {  	_ =	shalt  }
0x61: {  	_ =	shalt  }
0x62: {  	_ =	shalt  }
0x63: {  	_ =	shalt  }
0x64: {  	_ =	shalt  }
0x65: {  	_ =	shalt  }
0x66: {  	_ =	shalt  }
0x67: {  	_ =	shalt  }
0x68: {  	_ =	shalt  }
0x69: {  	_ =	shalt  }
0x6a: {  	_ =	shalt  }
0x6b: {  	_ =	shalt  }
0x6c: {  	_ =	shalt  }
0x6d: {  	_ =	shalt  }
0x6e: {  	_ =	shalt  }
0x6f: {  	_ =	shalt  }
0x70: {  	_ =	shalt  }
0x71: {  	_ =	shalt  }
0x72: {  	_ =	shalt  }
0x73: {  	_ =	shalt  }
0x74: {  	_ =	shalt  }
0x75: {  	_ =	shalt  }
0x76: {  	_ =	shalt  }
0x77: {  	_ =	shalt  }
0x78: {  	_ =	shalt  }
0x79: {  	_ =	shalt  }
0x7a: {  	_ =	shalt  }
0x7b: {  	_ =	shalt  }
0x7c: {  	_ =	shalt  }
0x7d: {  	_ =	shalt  }
0x7e: {  	_ =	shalt  }
0x7f: {  	_ =	shalt  }
0x80: {  	_ =	shalt  }
0x81: {  	_ =	shalt  }
0x82: {  	_ =	shalt  }
0x83: {  	_ =	shalt  }
0x84: {  	_ =	shalt  }
0x85: {  	_ =	shalt  }
0x86: {  	_ =	shalt  }
0x87: {  	_ =	shalt  }
.Lfunc_end0:
.L_simem_size_0:
called_computation_lowered:
.L_overlay_start_0:
0x88: {  	s2 =	sld [smem:$0x3FD9]  }
0x89: {  	s3 =	sld [smem:$0x3FFE];
	_ =	sdelay $0x1  }
0x8a: {  	s1 =	srdreg.scid  }
0x8b: {  	s0 =	sand.u32 $0x1, s1  }
0x8c: {  	s14 =	sshll.u32 s0, $0xA;
	s2 =	sadd.s32 s3, s2  }
0x8d: {  	s2 =	sadd.s32 s2, s14  }
0x8e: {  	[smem:$0x3FC6] =	sst s2  }
0x8f: {  	_ = 	snop  }
0x90: {  	s2 =	sld [smem:$0x3FD0];
	_ =	sdelay $0x2  }
0x91: {  	s4 =	simm.s32 $0xA;
	s5 =	simm.s32 $0x10;
	s15 =	sld [smem:$0x3FC9]  }
0x92: {  	[smem:s5], [sflag:s4] =	dma.local [hbm:s2], $0x1  }
0x93: {  	_ =	swait.eq [sflag:s4], $0x1  }
0x94: {  	[sflag:s4] =	ssyncset.done $0x0  }
0x95: {  	[sflag:s4] =	ssyncadd.s32 $0xFFFFFFFF  }
0x96: {  	s16 =	sld [smem:$0x10];
	(tm) =	ssettm $0x1  }
0x97: {  	s17 =	sld [smem:$0x3FFB];
	_ =	sdelay $0x3  }
0x98: {  	_ =	strace s17  }
0x99: {  	s4 =	sld [smem:$0x3FFC];
	_ =	sdelay $0x3  }
0x9a: {  	_ =	strace s4  }
0x9b: {  	s4 =	sld [smem:$0x3FFD];
	_ =	sdelay $0x3  }
0x9c: {  	_ =	strace s4  }
0x9d: {  	_ =	strace $0x8FFFFFFF  }
0x9e: {  	s18 =	sld [smem:$0x3FDB];
	_ =	sdelay $0x1  }
0x9f: {  	s19 =	simm.s32 $_scs_section_size  }
0xa0: {  	s6 =	simm.s32 $_size__tile_overlayer_lowered;
	s7 =	simm.s32 $_tile_overlayer_lowered  }
0xa1: {  	s22 =	simm.s32 $0x1BFF;
	s21 =	sshll.u32 s7, $0x1;
	s4 =	sadd.s32 s19, s18  }
0xa2: {  	s8 =	simm.s32 $0x0;
	s20 =	sshll.u32 s6, $0x1;
	s6 =	sadd.s32 s21, s4  }
0xa3: {  	[timem:s8], [sflag:s22] =	dma.local [hbm:s6], s20  }
0xa4: {  	_ =	swait.ge [sflag:s22], s20  }
0xa5: {  	s5 =	ssub.s32 $0x0, s20;
	[sflag:s22] =	ssyncset.done $0x0  }
0xa6: {  	[sflag:s22] =	ssyncadd.s32 s5;
	_ =	sdelay $0x1  }
0xa7: {  	s23 =	simm.s32 $0x1B8B  }
0xa8: {  	_ =	swait.ge [sflag:s23], $0x1  }
0xa9: {  	[sflag:s23] =	ssyncset.done $0x0  }
0xaa: {  	s25 =	simm.s32 $0x1B8E;
	s24 =	sld [smem:$0x3FFE];
	[sflag:s23] =	ssyncadd.s32 $0xFFFFFFFF  }
0xab: {  	s26 =	simm.s32 $execute0_lowered;
	[smem:$0x3FD2] =	sst s25  }
0xac: {  	s6 =	sshll.u32 s26, $0x1;
	_ =	strace $0x80000046;
	[dreg:$0x1] =	wrdreg $0xFFFFFFFF  }
0xad: {  	s28 =	simm.s32 $_size_execute0_lowered;
	s4 =	sadd.s32 s4, s6;
	[dreg:$0x0] =	wrdreg $0x0  }
0xae: {  	s6 =	sshll.u32 s28, $0x1;
	[dreg:$0x2] =	wrdreg s4  }
0xaf: {  	[dreg:$0x3] =	wrdreg s6  }
0xb0: {  	[dreg:$0x4] =	wrdreg $0xC0  }
0xb1: {  	_ =	task [dreg:s8], $0x5FFFF  }
0xb2: {  	[dreg:$0x1] =	wrdreg $0xFFFFFFFF  }
0xb3: {  	[dreg:$0x0] =	wrdreg $0x60  }
0xb4: {  	[dreg:$0x2] =	wrdreg s15  }
0xb5: {  	[dreg:$0x3] =	wrdreg s24  }
0xb6: {  	[dreg:$0x4] =	wrdreg s16  }
0xb7: {  	[dreg:$0x5] =	wrdreg $0x14D800  }
0xb8: {  	[dreg:$0x6] =	wrdreg $0x14E000  }
0xb9: {  	[dreg:$0x7] =	wrdreg $0x9  }
0xba: {  	_ =	task.clear_ibuf [dreg:s8], $0x8FFFF;
	_ =	strace $0x90000046  }
0xbb: {  	s29 =	simm.s32 $0x9;
	_ =	strace $0x80000048  }
0xbc: {  	_ =	swait.ge [sflag:s29], $0x1  }
0xbd: {  	[sflag:s29] =	ssyncadd.s32 $0xFFFFFFFF  }
0xbe: {  	_ =	strace $0x90000048  }
0xbf: {  	_ =	sfence  }
0xc0: {  	s30 =	sld [smem:$0x0];
	_ =	sdelay $0x2  }
0xc1: {  	s31 =	sshll.u32 s1, $0xD;
	s1 =	sshrl.u32 s1, $0x2  }
0xc2: {  	s3 =	sand.u32 $0x4000, s31;
	s1 =	sadd.s32 s1, s30  }
0xc3: {  	s0 =	sor.u32 s3, s0;
	s1 =	sshll.u32 s1, $0x11  }
0xc4: {  	s0 =	sor.u32 s1, s0  }
0xc5: {  	s0 =	sadd.s32 $0x8F2B, s0  }
0xc6: {  	[sflag:s0] =	ssyncadd.remote.s32 $0x1  }
0xc7: {  	_ =	sfence.sel $0xFFFF  }
0xc8: {  	[dreg:$0x0] =	wrdreg $0xFFFFFFFF;
	(pc) =	sbr.abs _section_cstart, $3  }
0xc9: {  	[dreg:$0x1] =	wrdreg $0xFFFFFFFF  }
0xca: {  	_ =	task.clear_ibuf [dreg:s8], $0x2FFFF;
	_ =	strace $0x9FFFFFFF  }
0xcb: {  	(tm) =	ssettm $0x7FFFFFFF  }
tec
execute0_lowered:
.L_overlay_start_1:
0x0: {  	(tag) =	ssettag $0x1  }
0x1: {  	s0 =	rddreg [dreg:$0x0]  }
0x2: {  	s1 =	rddreg [dreg:$0x1]  }
0x3: {  	s3 =	rddreg [dreg:$0x2]  }
0x4: {  	s12 =	rddreg [dreg:$0x3]  }
0x5: {  	s13 =	rddreg [dreg:$0x4]  }
0x6: {  	s2 =	simm.s32 $0x0;
	s4 =	srdreg.scid;
	s11 =	stileid.u32  }
0x7: {  	s16 =	simm.s32 $0x400;
	s17 =	simm.s32 $0x2000;
	s18 =	simm.s32 $0x6400  }
0x8: {  	s19 =	simm.s32 $0x1;
	s20 =	simm.s32 $0x3;
	s21 =	simm.s32 $0x2  }
0x9: {  	s22 =	simm.s32 $0x4;
	s31 =	simm.s32 $0xCD80;
	[smem:$0x7FF] =	sst s2  }
0xa: {  	s4 =	sand.u32 $0x1, s4;
	s5 =	sshll.u32 s11, $0x5;
	s7 =	sadd.s32 $0x800, s1  }
0xb: {  	s14 =	sand.u32 $0x3, s11;
	s29 =	sshll.u32 s11, $0x7;
	_ =	strace $0x80000047  }
0xc: {  	s6 =	sshll.u32 s4, $0x9;
	s5 =	sand.u32 $0x180, s5;
	s23 =	smul.u32 $0x186A000, s14  }
0xd: {  	[dreg:$0x6] =	wrdreg s7;
	s4 =	ssub.s32 $0x2, s4;
	s25 =	smul.u32 $0x30D400, s14  }
0xe: {  	s12 =	sadd.s32 s29, s12;
	s13 =	sadd.s32 s29, s13;
	s8 =	sor.u32 s6, s5  }
0xf: {  	p0 =	sne.s32 s14, $0x0;
	s24 =	sshrl.u32 s4, $0x1;
	s5 =	sshll.u32 s8, $0x4  }
0x10: {  	s15 =	ssub.s32 s4, s24;
	s4 =	sadd.s32 s0, s8;
	s10 =	sshrl.u32 s23, $0x3  }
0x11: {  	s0 =	sadd.s32 s0, s25;
	s1 =	sadd.s32 s5, s1;
	s5 =	smul.u32 $0x61A8, s14  }
.Ltmp0:
0x12: {  	s24 =	simm.s32 $0x5;
	s26 =	sadd.s32 s4, s10;
	(pc) =	sbr.rel .LBB2_1-.Ltmp0, $4  }
0x13: {  	s6 =	sadd.s32 s8, s0;
	s8 =	sadd.s32 s3, s8;
	s15 =	smax.u32 s15, $0x1  }
0x14: {  	s0 =	simm.s32 $0x10D80;
	s7 =	sadd.s32 $0x6400, s26;
	s28 =	sadd.s32 s8, s10  }
0x15: {  	v1 =	vlaneseq.u32;
	s30 =	sadd.s32 $0x187200, s1;
	s1 =	simm.s32 $0x0;
	s9 =	sadd.s32 $0x190, s5  }
0x16: {  	v1 =	vmul.u32 $0x80, v1;
	s10 =	sadd.s32 $0x258, s5;
	s11 =	sadd.s32 $0x307000, s28;
	[dreg:$0x7] =	wrdreg s30;
	v0 =	vmov s5  }
.LBB2_12:
0x17: {  	s1 =	sadd.s32 $0x1, s1  }
0x18: {  	p1 =	sne.s32 s1, s15  }
.Ltmp1:
0x19: {  	_ = 	snop;
	(pc) =	sbr.rel @!p1 .LBB2_13-.Ltmp1, $1  }
0x1a: {  	_ =	sdelay $0x3  }
.LBB2_1:
0x1b: {  	v4 =	vimm.f32 $-Inf  }
0x1c: {  	v2 =	vimm.s32 $0x0;
	v3 =	vimm.s32 $0x0;
	v7 =	vimm.f32 $-Inf  }
0x1d: {  	v5 =	vimm.s32 $0x0;
	v8 =	vimm.f32 $-Inf;
	v6 =	vimm.s32 $0x0  }
0x1e: {  	[tilespmem:s2], [sflag:$0x1] =	stream.strided.gather [hbm4b:s6+s16], $0x6400, s17, s16, $0x38;
	v11 =	vimm.f32 $-Inf;
	v9 =	vimm.s32 $0x0;
	v12 =	vimm.f32 $-Inf;
	[tilespmem:$0x14E80] =	vst v63  }
0x1f: {  	v10 =	vimm.s32 $0x0;
	v13 =	vimm.f32 $-Inf;
	v14 =	vimm.s32 $0x0;
	s26 =	simm.s32 $0x0;
	s28 =	simm.s32 $0x0  }
0x20: {  	v15 =	vimm.f32 $-Inf;
	v28 =	vimm.s32 $0x0;
	v16 =	vimm.f32 $-Inf;
	[tilespmem:s18], [sflag:$0x2] =	stream.strided.gather [hbm4b:s7+s16], $0x6400, s17, s16, $0x38;
	[tilespmem:$0x14E80] =	vst v63  }
.LBB2_2:
0x21: {  	s29 =	smul.u32 $0x190, s28;
	_ =	sdelay $0x1  }
0x22: {  	_ =	swait.ge [sflag:s19], $0x6400;
	s3 =	sadd.s32 s5, s29  }
0x23: {  	s14 =	simm.s32 $0x0;
	[sflag:s19] =	ssyncset.done $0x0;
	s30 =	sshll.u32 s3, $0x7  }
0x24: {  	s23 =	simm.s32 $0x80;
	[sflag:s19] =	ssyncadd.s32 $0xFFFF9C00;
	s3 =	sadd.s32 s30, s8  }
0x25: {  	[hbm4b:s3+s16] =	stream.strided.scatter [tilespmem:s14], [sflag:$0x3], $0x6400, s17, s16, $0x38;
	[tilespmem:$0x14E80] =	vst v63  }
0x26: {  	v17 =	vld [tilespmem:s23+$0x0]  }
0x27: {  	v29 =	vld [tilespmem:s23+$0x10]  }
0x28: {  	v18 =	vld [tilespmem:s23+$0x20]  }
0x29: {  	v19 =	vld [tilespmem:s23+$0x30]  }
0x2a: {  	v22 =	vld [tilespmem:s23+$0xFFFFFF80]  }
0x2b: {  	v23 =	vld [tilespmem:s23+$0xFFFFFF90]  }
0x2c: {  	v21 =	vld [tilespmem:s23+$0x40]  }
0x2d: {  	v24 =	vld [tilespmem:s23+$0xFFFFFFA0]  }
0x2e: {  	v25 =	vld [tilespmem:s23+$0xFFFFFFB0]  }
0x2f: {  	v27 =	vld [tilespmem:s23+$0xFFFFFFC0]  }
0x30: {  	s3 =	sadd.s32 $0x0, s26;
	v20 =	vld [tilespmem:s23+$0x50];
	vm0 =	vgt.f32 v22, v16;
	vm1 =	vgt.f32 v23, v15  }
0x31: {  	v26 =	vld [tilespmem:s23+$0xFFFFFFF0];
	v16 =	vsel vm0, v22, v16;
	v30 =	vsel vm1, v23, v15;
	v31 =	vsel vm1, s3, v14  }
0x32: {  	s14 =	sadd.s32 $0x1, s3;
	v22 =	vld [tilespmem:s23+$0xFFFFFFD0];
	v14 =	vsel vm0, s3, v28;
	vm0 =	vgt.f32 v17, v16;
	vm1 =	vgt.f32 v29, v30  }
0x33: {  	s25 =	simm.s32 $0x2;
	v23 =	vld [tilespmem:s23+$0xFFFFFFE0];
	v15 =	vsel vm0, v17, v16;
	v16 =	vsel vm1, v29, v30;
	v17 =	vsel vm1, s14, v31  }
.LBB2_3:
0x34: {  	p1 =	sne.s32 s25, $0xC6;
	vm1 =	vgt.f32 v24, v13;
	vm2 =	vgt.f32 v25, v12;
	vm3 =	vgt.f32 v27, v11;
	v28 =	vld [tilespmem:s23+$0x60]  }
0x35: {  	v13 =	vsel vm1, v24, v13;
	v12 =	vsel vm2, v25, v12;
	v11 =	vsel vm3, v27, v11;
	v24 =	vld [tilespmem:s23+$0x70];
	s23 =	sadd.s32 $0x100, s23  }
0x36: {  	v29 =	vld [tilespmem:s23+$0x0];
	vm4 =	vgt.f32 v18, v13;
	vm5 =	vgt.f32 v19, v12;
	vm6 =	vgt.f32 v21, v11  }
0x37: {  	v30 =	vld [tilespmem:s23+$0x10];
	v13 =	vsel vm4, v18, v13;
	v12 =	vsel vm5, v19, v12;
	v11 =	vsel vm6, v21, v11  }
0x38: {  	vm7 =	vgt.f32 v22, v8;
	vm8 =	vgt.f32 v23, v7;
	v18 =	vld [tilespmem:s23+$0x20];
	vm9 =	vgt.f32 v26, v4  }
0x39: {  	v8 =	vsel vm7, v22, v8;
	v7 =	vsel vm8, v23, v7;
	v19 =	vld [tilespmem:s23+$0x30];
	v4 =	vsel vm9, v26, v4  }
0x3a: {  	vm10 =	vgt.f32 v20, v8;
	vm11 =	vgt.f32 v28, v7;
	v22 =	vld [tilespmem:s23+$0xFFFFFF80];
	vm12 =	vgt.f32 v24, v4  }
0x3b: {  	v8 =	vsel vm10, v20, v8;
	v7 =	vsel vm11, v28, v7;
	v23 =	vld [tilespmem:s23+$0xFFFFFF90];
	v4 =	vsel vm12, v24, v4  }
0x3c: {  	v5 =	vsel vm7, s3, v5;
	v3 =	vsel vm8, s3, v3;
	v2 =	vsel vm9, s3, v2;
	v21 =	vld [tilespmem:s23+$0x40]  }
0x3d: {  	v5 =	vsel vm10, s14, v5;
	v3 =	vsel vm11, s14, v3;
	v2 =	vsel vm12, s14, v2;
	v24 =	vld [tilespmem:s23+$0xFFFFFFA0]  }
0x3e: {  	v10 =	vsel vm1, s3, v10;
	v9 =	vsel vm2, s3, v9;
	v6 =	vsel vm3, s3, v6;
	v25 =	vld [tilespmem:s23+$0xFFFFFFB0]  }
.Ltmp2:
0x3f: {  	v10 =	vsel vm4, s14, v10;
	v9 =	vsel vm5, s14, v9;
	v6 =	vsel vm6, s14, v6;
	v27 =	vld [tilespmem:s23+$0xFFFFFFC0];
	(pc) =	sbr.rel @p1 .LBB2_3-.Ltmp2, $4  }
0x40: {  	v14 =	vsel vm0, s14, v14;
	s3 =	sadd.s32 s25, s26;
	vm1 =	vgt.f32 v22, v15;
	vm2 =	vgt.f32 v23, v16;
	v20 =	vld [tilespmem:s23+$0x50]  }
0x41: {  	v15 =	vsel vm1, v22, v15;
	v16 =	vsel vm2, v23, v16;
	v17 =	vsel vm2, s3, v17;
	v22 =	vld [tilespmem:s23+$0xFFFFFFD0]  }
0x42: {  	s14 =	sadd.s32 $0x1, s3;
	v14 =	vsel vm1, s3, v14;
	vm0 =	vgt.f32 v29, v15;
	v23 =	vld [tilespmem:s23+$0xFFFFFFE0];
	vm1 =	vgt.f32 v30, v16  }
0x43: {  	s25 =	sadd.s32 $0x2, s25;
	v15 =	vsel vm0, v29, v15;
	v26 =	vld [tilespmem:s23+$0xFFFFFFF0];
	v16 =	vsel vm1, v30, v16;
	v17 =	vsel vm1, s14, v17  }
0x44: {  	v28 =	vld [tilespmem:s23+$0x60]  }
0x45: {  	v29 =	vld [tilespmem:s23+$0x70];
	_ =	swait.ge [sflag:s20], $0x6400;
	s25 =	sadd.s32 s29, s9  }
0x46: {  	[sflag:s20] =	ssyncset.done $0x0;
	s23 =	sshll.u32 s25, $0x7  }
0x47: {  	[sflag:s20] =	ssyncadd.s32 $0xFFFF9C00;
	s23 =	sadd.s32 s23, s4  }
0x48: {  	[tilespmem:s2], [sflag:$0x1] =	stream.strided.gather [hbm4b:s23+s16], $0x6400, s17, s16, $0x38;
	[tilespmem:$0x14E80] =	vst v63  }
0x49: {  	_ =	swait.ge [sflag:s21], $0x6400  }
0x4a: {  	s25 =	sadd.s32 s8, s30;
	[sflag:s21] =	ssyncset.done $0x0  }
0x4b: {  	vm1 =	vgt.f32 v24, v13;
	vm2 =	vgt.f32 v25, v12;
	vm3 =	vgt.f32 v27, v11;
	s30 =	simm.s32 $0x6480;
	s23 =	sadd.s32 $0x6400, s25;
	[sflag:s21] =	ssyncadd.s32 $0xFFFF9C00  }
0x4c: {  	v14 =	vsel vm0, s14, v14;
	v13 =	vsel vm1, v24, v13;
	v24 =	vsel vm2, v25, v12;
	[hbm4b:s23+s16] =	stream.strided.scatter [tilespmem:s18], [sflag:$0x4], $0x6400, s17, s16, $0x38;
	[tilespmem:$0x14E80] =	vst v63  }
0x4d: {  	v11 =	vsel vm3, v27, v11;
	v10 =	vsel vm1, s3, v10;
	v9 =	vsel vm2, s3, v9;
	v30 =	vld [tilespmem:s30+$0x0]  }
0x4e: {  	vm4 =	vgt.f32 v18, v13;
	vm5 =	vgt.f32 v19, v24;
	vm6 =	vgt.f32 v21, v11;
	v31 =	vld [tilespmem:s30+$0x10]  }
0x4f: {  	v12 =	vsel vm4, v18, v13;
	v18 =	vsel vm6, v21, v11;
	vm9 =	vgt.f32 v26, v4;
	v11 =	vld [tilespmem:s30+$0x20]  }
0x50: {  	vm7 =	vgt.f32 v22, v8;
	v13 =	vsel vm5, v19, v24;
	v21 =	vsel vm9, v26, v4;
	v4 =	vld [tilespmem:s30+$0x30]  }
0x51: {  	vm8 =	vgt.f32 v23, v7;
	v8 =	vsel vm7, v22, v8;
	v5 =	vsel vm7, s3, v5;
	v24 =	vld [tilespmem:s30+$0xFFFFFF80]  }
0x52: {  	v9 =	vsel vm5, s14, v9;
	v19 =	vsel vm8, v23, v7;
	vm10 =	vgt.f32 v20, v8;
	v25 =	vld [tilespmem:s30+$0xFFFFFF90]  }
0x53: {  	v3 =	vsel vm8, s3, v3;
	vm11 =	vgt.f32 v28, v19;
	v7 =	vsel vm10, v20, v8;
	v20 =	vld [tilespmem:s30+$0x40]  }
0x54: {  	vm12 =	vgt.f32 v29, v21;
	v8 =	vsel vm11, v28, v19;
	v3 =	vsel vm11, s14, v3;
	v22 =	vld [tilespmem:s30+$0xFFFFFFA0]  }
0x55: {  	v19 =	vsel vm12, v29, v21;
	v21 =	vsel vm9, s3, v2;
	v2 =	vsel vm10, s14, v5;
	v23 =	vld [tilespmem:s30+$0xFFFFFFB0]  }
0x56: {  	s25 =	sadd.s32 $0xFFFFFF38, s26;
	v5 =	vsel vm12, s14, v21;
	v21 =	vsel vm3, s3, v6;
	v6 =	vsel vm4, s14, v10;
	v26 =	vld [tilespmem:s30+$0xFFFFFFC0]  }
0x57: {  	s3 =	sadd.s32 $0x190, s25;
	v27 =	vld [tilespmem:s30+$0xFFFFFFF0];
	v10 =	vsel vm6, s14, v21;
	vm0 =	vgt.f32 v24, v15;
	vm1 =	vgt.f32 v25, v16  }
0x58: {  	v21 =	vld [tilespmem:s30+$0x50];
	v15 =	vsel vm0, v24, v15;
	v28 =	vsel vm1, v25, v16;
	v29 =	vsel vm1, s3, v17  }
0x59: {  	s14 =	sadd.s32 $0x191, s25;
	v24 =	vld [tilespmem:s30+$0xFFFFFFD0];
	v17 =	vsel vm0, s3, v14;
	vm0 =	vgt.f32 v30, v15;
	vm1 =	vgt.f32 v31, v28  }
0x5a: {  	s23 =	simm.s32 $0xFFFFFF3A;
	v25 =	vld [tilespmem:s30+$0xFFFFFFE0];
	v16 =	vsel vm0, v30, v15;
	v15 =	vsel vm1, v31, v28;
	v14 =	vsel vm1, s14, v29  }
.LBB2_5:
0x5b: {  	p1 =	sne.s32 s23, $0xFFFFFFFE;
	vm1 =	vgt.f32 v22, v12;
	vm2 =	vgt.f32 v23, v13;
	vm3 =	vgt.f32 v26, v18;
	v28 =	vld [tilespmem:s30+$0x60]  }
0x5c: {  	v12 =	vsel vm1, v22, v12;
	v13 =	vsel vm2, v23, v13;
	v18 =	vsel vm3, v26, v18;
	v22 =	vld [tilespmem:s30+$0x70];
	s30 =	sadd.s32 $0x100, s30  }
0x5d: {  	v29 =	vld [tilespmem:s30+$0x0];
	vm4 =	vgt.f32 v11, v12;
	vm5 =	vgt.f32 v4, v13;
	vm6 =	vgt.f32 v20, v18  }
0x5e: {  	v30 =	vld [tilespmem:s30+$0x10];
	v12 =	vsel vm4, v11, v12;
	v13 =	vsel vm5, v4, v13;
	v18 =	vsel vm6, v20, v18  }
0x5f: {  	vm7 =	vgt.f32 v24, v7;
	vm8 =	vgt.f32 v25, v8;
	v11 =	vld [tilespmem:s30+$0x20];
	vm9 =	vgt.f32 v27, v19  }
0x60: {  	v7 =	vsel vm7, v24, v7;
	v8 =	vsel vm8, v25, v8;
	v4 =	vld [tilespmem:s30+$0x30];
	v19 =	vsel vm9, v27, v19  }
0x61: {  	vm10 =	vgt.f32 v21, v7;
	vm11 =	vgt.f32 v28, v8;
	v24 =	vld [tilespmem:s30+$0xFFFFFF80];
	vm12 =	vgt.f32 v22, v19  }
0x62: {  	v7 =	vsel vm10, v21, v7;
	v8 =	vsel vm11, v28, v8;
	v25 =	vld [tilespmem:s30+$0xFFFFFF90];
	v19 =	vsel vm12, v22, v19  }
0x63: {  	v2 =	vsel vm7, s3, v2;
	v3 =	vsel vm8, s3, v3;
	v5 =	vsel vm9, s3, v5;
	v20 =	vld [tilespmem:s30+$0x40]  }
0x64: {  	v2 =	vsel vm10, s14, v2;
	v3 =	vsel vm11, s14, v3;
	v5 =	vsel vm12, s14, v5;
	v22 =	vld [tilespmem:s30+$0xFFFFFFA0]  }
0x65: {  	v6 =	vsel vm1, s3, v6;
	v9 =	vsel vm2, s3, v9;
	v10 =	vsel vm3, s3, v10;
	v23 =	vld [tilespmem:s30+$0xFFFFFFB0]  }
.Ltmp3:
0x66: {  	s25 =	sadd.s32 s23, s26;
	v6 =	vsel vm4, s14, v6;
	v9 =	vsel vm5, s14, v9;
	v10 =	vsel vm6, s14, v10;
	v26 =	vld [tilespmem:s30+$0xFFFFFFC0];
	(pc) =	sbr.rel @p1 .LBB2_5-.Ltmp3, $4  }
0x67: {  	v17 =	vsel vm0, s14, v17;
	s3 =	sadd.s32 $0x190, s25;
	vm1 =	vgt.f32 v24, v16;
	vm2 =	vgt.f32 v25, v15;
	v21 =	vld [tilespmem:s30+$0x50]  }
0x68: {  	v16 =	vsel vm1, v24, v16;
	v15 =	vsel vm2, v25, v15;
	v14 =	vsel vm2, s3, v14;
	v24 =	vld [tilespmem:s30+$0xFFFFFFD0]  }
0x69: {  	s14 =	sadd.s32 $0x191, s25;
	v17 =	vsel vm1, s3, v17;
	vm0 =	vgt.f32 v29, v16;
	v25 =	vld [tilespmem:s30+$0xFFFFFFE0];
	vm1 =	vgt.f32 v30, v15  }
0x6a: {  	s23 =	sadd.s32 $0x2, s23;
	v16 =	vsel vm0, v29, v16;
	v27 =	vld [tilespmem:s30+$0xFFFFFFF0];
	v15 =	vsel vm1, v30, v15;
	v14 =	vsel vm1, s14, v14  }
0x6b: {  	vm1 =	vgt.f32 v22, v12  }
0x6c: {  	vm2 =	vgt.f32 v23, v13;
	vm3 =	vgt.f32 v26, v18;
	v12 =	vsel vm1, v22, v12  }
0x6d: {  	v62 =	vsel vm2, v23, v13;
	v18 =	vsel vm3, v26, v18;
	v6 =	vsel vm1, s3, v6  }
0x6e: {  	v28 =	vld [tilespmem:s30+$0x60];
	v9 =	vsel vm2, s3, v9;
	vm4 =	vgt.f32 v11, v12;
	vm5 =	vgt.f32 v4, v62  }
0x6f: {  	v63 =	vld [tilespmem:s30+$0x70];
	vm6 =	vgt.f32 v20, v18;
	vm7 =	vgt.f32 v24, v7;
	v13 =	vsel vm4, v11, v12  }
0x70: {  	v12 =	vsel vm5, v4, v62;
	v11 =	vsel vm6, v20, v18;
	vm8 =	vgt.f32 v25, v8  }
0x71: {  	v4 =	vsel vm7, v24, v7;
	v2 =	vsel vm7, s3, v2;
	v9 =	vsel vm5, s14, v9  }
0x72: {  	p1 =	seq.s32 s28, $0x3D;
	vm9 =	vgt.f32 v27, v19;
	v7 =	vsel vm8, v25, v8;
	vm10 =	vgt.f32 v21, v4  }
.Ltmp4:
0x73: {  	v3 =	vsel vm8, s3, v3;
	v18 =	vsel vm9, v27, v19;
	vm11 =	vgt.f32 v28, v7;
	(pc) =	sbr.rel @p1 .LBB2_8-.Ltmp4, $4  }
0x74: {  	v8 =	vsel vm10, v21, v4;
	vm12 =	vgt.f32 v63, v18;
	v7 =	vsel vm11, v28, v7  }
0x75: {  	v3 =	vsel vm11, s14, v3;
	v4 =	vsel vm12, v63, v18;
	v18 =	vsel vm9, s3, v5  }
0x76: {  	v5 =	vsel vm10, s14, v2;
	v2 =	vsel vm12, s14, v18;
	v18 =	vsel vm3, s3, v10  }
0x77: {  	v28 =	vsel vm0, s14, v17;
	v10 =	vsel vm4, s14, v6;
	v6 =	vsel vm6, s14, v18  }
.Ltmp5:
0x78: {  	(pc) =	sbr.rel .LBB2_2-.Ltmp5, $4  }
0x79: {  	_ =	swait.ge [sflag:s22], $0x6400;
	s3 =	sadd.s32 s29, s10  }
0x7a: {  	s28 =	sadd.s32 $0x1, s28;
	[sflag:s22] =	ssyncset.done $0x0;
	s3 =	sshll.u32 s3, $0x7  }
0x7b: {  	s26 =	sadd.s32 $0x190, s26;
	[sflag:s22] =	ssyncadd.s32 $0xFFFF9C00;
	s3 =	sadd.s32 s3, s4  }
0x7c: {  	[tilespmem:s18], [sflag:$0x2] =	stream.strided.gather [hbm4b:s3+s16], $0x6400, s17, s16, $0x38;
	[tilespmem:$0x14E80] =	vst v63  }
.LBB2_8:
0x7d: {  	_ =	swait.ge [sflag:s19], $0x6400  }
0x7e: {  	[sflag:s19] =	ssyncset.done $0x0  }
0x7f: {  	s14 =	simm.s32 $0x80;
	[sflag:s19] =	ssyncadd.s32 $0xFFFF9C00  }
0x80: {  	[hbm4b:s11+s16] =	stream.strided.scatter [tilespmem:s2], [sflag:$0x3], $0x6400, s17, s16, $0x38;
	[tilespmem:$0x14E80] =	vst v63  }
0x81: {  	v24 =	vld [tilespmem:s14+$0x0]  }
0x82: {  	v29 =	vld [tilespmem:s14+$0x10]  }
0x83: {  	v17 =	vld [tilespmem:s14+$0x20]  }
0x84: {  	v18 =	vld [tilespmem:s14+$0x30]  }
0x85: {  	v21 =	vld [tilespmem:s14+$0xFFFFFF80]  }
0x86: {  	v22 =	vld [tilespmem:s14+$0xFFFFFF90]  }
0x87: {  	v20 =	vld [tilespmem:s14+$0x40]  }
0x88: {  	v26 =	vld [tilespmem:s14+$0xFFFFFFA0]  }
0x89: {  	v25 =	vld [tilespmem:s14+$0xFFFFFFB0]  }
0x8a: {  	v27 =	vld [tilespmem:s14+$0xFFFFFFC0]  }
0x8b: {  	s26 =	simm.s32 $0x60E0;
	v19 =	vld [tilespmem:s14+$0x50];
	vm0 =	vgt.f32 v21, v16;
	vm1 =	vgt.f32 v22, v15  }
0x8c: {  	v23 =	vld [tilespmem:s14+$0xFFFFFFD0];
	v16 =	vsel vm0, v21, v16;
	v30 =	vsel vm1, v22, v15;
	v31 =	vsel vm1, s26, v14  }
0x8d: {  	s3 =	simm.s32 $0x60E1;
	v15 =	vsel vm0, s26, v28;
	v21 =	vld [tilespmem:s14+$0xFFFFFFE0];
	vm0 =	vgt.f32 v24, v16;
	vm1 =	vgt.f32 v29, v30  }
0x8e: {  	s23 =	simm.s32 $0x60E2;
	v22 =	vld [tilespmem:s14+$0xFFFFFFF0];
	v24 =	vsel vm0, v24, v16;
	v14 =	vsel vm1, v29, v30;
	v16 =	vsel vm1, s3, v31  }
.LBB2_9:
0x8f: {  	p1 =	sne.s32 s23, $0x61A6;
	vm1 =	vgt.f32 v26, v13;
	vm2 =	vgt.f32 v25, v12;
	vm3 =	vgt.f32 v27, v11;
	v28 =	vld [tilespmem:s14+$0x60]  }
0x90: {  	v13 =	vsel vm1, v26, v13;
	v12 =	vsel vm2, v25, v12;
	v11 =	vsel vm3, v27, v11;
	v25 =	vld [tilespmem:s14+$0x70];
	s14 =	sadd.s32 $0x100, s14  }
0x91: {  	v29 =	vld [tilespmem:s14+$0x0];
	vm4 =	vgt.f32 v17, v13;
	vm5 =	vgt.f32 v18, v12;
	vm6 =	vgt.f32 v20, v11  }
0x92: {  	v30 =	vld [tilespmem:s14+$0x10];
	v13 =	vsel vm4, v17, v13;
	v12 =	vsel vm5, v18, v12;
	v11 =	vsel vm6, v20, v11  }
0x93: {  	vm7 =	vgt.f32 v23, v8;
	vm8 =	vgt.f32 v21, v7;
	v17 =	vld [tilespmem:s14+$0x20];
	vm9 =	vgt.f32 v22, v4  }
0x94: {  	v8 =	vsel vm7, v23, v8;
	v7 =	vsel vm8, v21, v7;
	v18 =	vld [tilespmem:s14+$0x30];
	v4 =	vsel vm9, v22, v4  }
0x95: {  	vm10 =	vgt.f32 v19, v8;
	vm11 =	vgt.f32 v28, v7;
	v21 =	vld [tilespmem:s14+$0xFFFFFF80];
	vm12 =	vgt.f32 v25, v4  }
0x96: {  	v8 =	vsel vm10, v19, v8;
	v7 =	vsel vm11, v28, v7;
	v22 =	vld [tilespmem:s14+$0xFFFFFF90];
	v4 =	vsel vm12, v25, v4  }
0x97: {  	v5 =	vsel vm7, s26, v5;
	v3 =	vsel vm8, s26, v3;
	v2 =	vsel vm9, s26, v2;
	v20 =	vld [tilespmem:s14+$0x40]  }
0x98: {  	v5 =	vsel vm10, s3, v5;
	v3 =	vsel vm11, s3, v3;
	v2 =	vsel vm12, s3, v2;
	v26 =	vld [tilespmem:s14+$0xFFFFFFA0]  }
0x99: {  	v10 =	vsel vm1, s26, v10;
	v9 =	vsel vm2, s26, v9;
	v6 =	vsel vm3, s26, v6;
	s26 =	smov.u32 s23;
	v25 =	vld [tilespmem:s14+$0xFFFFFFB0]  }
.Ltmp6:
0x9a: {  	v10 =	vsel vm4, s3, v10;
	v9 =	vsel vm5, s3, v9;
	v6 =	vsel vm6, s3, v6;
	v27 =	vld [tilespmem:s14+$0xFFFFFFC0];
	(pc) =	sbr.rel @p1 .LBB2_9-.Ltmp6, $4  }
0x9b: {  	v15 =	vsel vm0, s3, v15;
	vm1 =	vgt.f32 v21, v24;
	vm2 =	vgt.f32 v22, v14;
	v19 =	vld [tilespmem:s14+$0x50]  }
0x9c: {  	v24 =	vsel vm1, v21, v24;
	v14 =	vsel vm2, v22, v14;
	v16 =	vsel vm2, s23, v16;
	v23 =	vld [tilespmem:s14+$0xFFFFFFD0]  }
0x9d: {  	s3 =	sadd.s32 $0x1, s23;
	v15 =	vsel vm1, s23, v15;
	vm0 =	vgt.f32 v29, v24;
	v21 =	vld [tilespmem:s14+$0xFFFFFFE0];
	vm1 =	vgt.f32 v30, v14  }
0x9e: {  	s23 =	sadd.s32 $0x2, s23;
	v24 =	vsel vm0, v29, v24;
	v22 =	vld [tilespmem:s14+$0xFFFFFFF0];
	v14 =	vsel vm1, v30, v14;
	v16 =	vsel vm1, s3, v16  }
0x9f: {  	v28 =	vld [tilespmem:s14+$0x60]  }
0xa0: {  	v29 =	vld [tilespmem:s14+$0x70];
	_ =	swait.ge [sflag:s22], $0x6400  }
0xa1: {  	[sflag:s22] =	ssyncset.done $0x0  }
0xa2: {  	[sflag:s22] =	ssyncadd.s32 $0xFFFF9C00  }
0xa3: {  	_ =	swait.ge [sflag:s20], $0x6400  }
0xa4: {  	[sflag:s20] =	ssyncset.done $0x0  }
0xa5: {  	vm1 =	vgt.f32 v26, v13;
	v15 =	vsel vm0, s3, v15;
	vm8 =	vgt.f32 v25, v12;
	[sflag:s20] =	ssyncadd.s32 $0xFFFF9C00  }
0xa6: {  	vm2 =	vgt.f32 v27, v11;
	v62 =	vadd.s32 v0, v16;
	v15 =	vadd.s32 v0, v15;
	[tilespmem:$0xC800] =	vst v24  }
0xa7: {  	v13 =	vsel vm1, v26, v13;
	v12 =	vsel vm8, v25, v12;
	v11 =	vsel vm2, v27, v11;
	[tilespmem:$0xC880] =	vst v15  }
0xa8: {  	v10 =	vsel vm1, s26, v10;
	v9 =	vsel vm8, s26, v9;
	vm3 =	vgt.f32 v17, v13;
	[tilespmem:$0xC810] =	vst v14  }
0xa9: {  	v6 =	vsel vm2, s26, v6;
	v13 =	vsel vm3, v17, v13;
	v10 =	vsel vm3, s3, v10;
	[tilespmem:$0xC890] =	vst v62  }
0xaa: {  	vm4 =	vgt.f32 v18, v12;
	vm9 =	vgt.f32 v20, v11;
	v10 =	vadd.s32 v0, v10;
	[tilespmem:$0xC820] =	vst v13  }
0xab: {  	vm10 =	vgt.f32 v23, v8;
	v12 =	vsel vm4, v18, v12;
	v9 =	vsel vm4, s3, v9;
	[tilespmem:$0xC8A0] =	vst v10  }
0xac: {  	v11 =	vsel vm9, v20, v11;
	vm11 =	vgt.f32 v21, v7;
	v9 =	vadd.s32 v0, v9;
	[tilespmem:$0xC830] =	vst v12  }
0xad: {  	v8 =	vsel vm10, v23, v8;
	v6 =	vsel vm9, s3, v6;
	v5 =	vsel vm10, s26, v5;
	[tilespmem:$0xC8B0] =	vst v9  }
0xae: {  	vm12 =	vgt.f32 v22, v4;
	vm13 =	vgt.f32 v19, v8;
	v6 =	vadd.s32 v0, v6;
	[tilespmem:$0xC840] =	vst v11  }
0xaf: {  	v7 =	vsel vm11, v21, v7;
	v8 =	vsel vm13, v19, v8;
	v5 =	vsel vm13, s3, v5;
	[tilespmem:$0xC8C0] =	vst v6  }
0xb0: {  	v3 =	vsel vm11, s26, v3;
	vm14 =	vgt.f32 v28, v7;
	[tilespmem:$0xC850] =	vst v8;
	v5 =	vadd.s32 v0, v5  }
0xb1: {  	v4 =	vsel vm12, v22, v4;
	v63 =	vsel vm14, v28, v7;
	v3 =	vsel vm14, s3, v3;
	[tilespmem:$0xC8D0] =	vst v5  }
0xb2: {  	v2 =	vsel vm12, s26, v2;
	vm15 =	vgt.f32 v29, v4;
	[tilespmem:$0xC860] =	vst v63;
	v3 =	vadd.s32 v0, v3  }
0xb3: {  	v4 =	vsel vm15, v29, v4;
	v2 =	vsel vm15, s3, v2;
	[tilespmem:$0xC8E0] =	vst v3  }
0xb4: {  	[tilespmem:$0xC870] =	vst v4;
	v2 =	vadd.s32 v0, v2  }
0xb5: {  	s29 =	simm.s32 $0xC800;
	[tilespmem:$0xC8F0] =	vst v2  }
0xb6: {  	[spmem:s12] =	stream.linear.scatter [tilespmem:s29], [sflag:$0x5], $0x80, $0x38;
	[tilespmem:$0x14E80] =	vst v63  }
0xb7: {  	_ =	swait.ge [sflag:s24], $0x80  }
0xb8: {  	[sflag:s24] =	ssyncset.done $0x0  }
0xb9: {  	s30 =	simm.s32 $0xC880;
	[sflag:s24] =	ssyncadd.s32 $0xFFFFFF80  }
0xba: {  	[spmem:s13] =	stream.linear.scatter [tilespmem:s30], [sflag:$0x5], $0x80, $0x38;
	[tilespmem:$0x14E80] =	vst v63  }
.Ltmp7:
0xbb: {  	_ =	swait.ge [sflag:s24], $0x80;
	(pc) =	sbr.rel @p0 .LBB2_12-.Ltmp7, $3  }
0xbc: {  	[sflag:s24] =	ssyncset.done $0x0  }
0xbd: {  	[sflag:s24] =	ssyncadd.s32 $0xFFFFFF80  }
0xbe: {  	[bflag:$0x0] =	sbarrier.arrive $0xFFFF;
	_ =	sdelay $0x1  }
0xbf: {  	s3 =	simm.s32 $0xC900  }
0xc0: {  	[tilespmem:s3], [sflag:$0x5] =	stream.linear.gather [spmem:s12], $0x200, $0x38;
	[tilespmem:$0x14E80] =	vst v63  }
0xc1: {  	_ =	swait.ge [sflag:s24], $0x200  }
0xc2: {  	[sflag:s24] =	ssyncset.done $0x0  }
0xc3: {  	s28 =	simm.s32 $0xCB00;
	[sflag:s24] =	ssyncadd.s32 $0xFFFFFE00  }
0xc4: {  	[tilespmem:s28], [sflag:$0x5] =	stream.linear.gather [spmem:s13], $0x200, $0x38;
	[tilespmem:$0x14E80] =	vst v63  }
0xc5: {  	_ =	swait.ge [sflag:s24], $0x200  }
0xc6: {  	[sflag:s24] =	ssyncset.done $0x0  }
0xc7: {  	[sflag:s24] =	ssyncadd.s32 $0xFFFFFE00  }
0xc8: {  	v2 =	vld [tilespmem:$0xC900]  }
0xc9: {  	v3 =	vld [tilespmem:$0xCB00]  }
0xca: {  	v4 =	vld [tilespmem:$0xC980]  }
0xcb: {  	v5 =	vld [tilespmem:$0xCB80]  }
0xcc: {  	v6 =	vld [tilespmem:$0xCA00]  }
0xcd: {  	v7 =	vld [tilespmem:$0xCC00]  }
0xce: {  	v8 =	vld [tilespmem:$0xCA80]  }
0xcf: {  	v9 =	vld [tilespmem:$0xCC80]  }
0xd0: {  	v10 =	vld [tilespmem:$0xC910]  }
0xd1: {  	v11 =	vld [tilespmem:$0xCB10]  }
0xd2: {  	v12 =	vld [tilespmem:$0xC990]  }
0xd3: {  	v13 =	vld [tilespmem:$0xCB90]  }
0xd4: {  	v14 =	vld [tilespmem:$0xCA10]  }
0xd5: {  	v15 =	vld [tilespmem:$0xCC10]  }
0xd6: {  	v16 =	vld [tilespmem:$0xCA90]  }
0xd7: {  	v17 =	vld [tilespmem:$0xCC90]  }
0xd8: {  	v18 =	vld [tilespmem:$0xC920]  }
0xd9: {  	v19 =	vld [tilespmem:$0xCB20];
	vm0 =	veq.f32 v4, v2;
	vm1 =	vlt.s32 v5, v3  }
0xda: {  	v44 =	vld [tilespmem:$0xC9A0];
	vm2 =	vgt.f32 v4, v2;
	vm0 =	vmand vm0, vm1  }
0xdb: {  	v45 =	vld [tilespmem:$0xCBA0];
	vm0 =	vmor vm2, vm0  }
0xdc: {  	v22 =	vld [tilespmem:$0xC930];
	v2 =	vsel vm0, v4, v2;
	v3 =	vsel vm0, v5, v3  }
0xdd: {  	v48 =	vld [tilespmem:$0xCB30];
	vm11 =	veq.f32 v12, v10;
	vm8 =	veq.f32 v6, v2;
	vm9 =	vlt.s32 v7, v3  }
0xde: {  	v49 =	vld [tilespmem:$0xC9B0];
	vm12 =	vlt.s32 v13, v11;
	vm10 =	vgt.f32 v6, v2;
	vm0 =	vmand vm8, vm9  }
0xdf: {  	v50 =	vld [tilespmem:$0xCBB0];
	vm3 =	vgt.f32 v12, v10;
	vm7 =	veq.f32 v44, v18;
	vm0 =	vmor vm10, vm0  }
0xe0: {  	v54 =	vld [tilespmem:$0xC940];
	vm8 =	vlt.s32 v45, v19;
	vm9 =	vgt.f32 v44, v18;
	v2 =	vsel vm0, v6, v2  }
0xe1: {  	v55 =	vld [tilespmem:$0xCB40];
	v3 =	vsel vm0, v7, v3;
	vm0 =	vmand vm11, vm12;
	vm13 =	vgt.f32 v8, v2  }
0xe2: {  	v56 =	vld [tilespmem:$0xC9C0];
	vm14 =	veq.f32 v8, v2;
	vm4 =	vlt.s32 v9, v3;
	vm0 =	vmor vm3, vm0  }
0xe3: {  	v57 =	vld [tilespmem:$0xCBC0];
	vm1 =	vmand vm14, vm4;
	v10 =	vsel vm0, v12, v10;
	v11 =	vsel vm0, v13, v11  }
0xe4: {  	v20 =	vld [tilespmem:$0xCA20];
	vm15 =	vmor vm13, vm1;
	vm4 =	veq.f32 v14, v10;
	vm5 =	vlt.s32 v15, v11  }
0xe5: {  	v21 =	vld [tilespmem:$0xCC20];
	vm6 =	vgt.f32 v14, v10;
	v2 =	vsel vm15, v9, v3;
	vm1 =	vmand vm4, vm5  }
0xe6: {  	v46 =	vld [tilespmem:$0xCAA0];
	vm15 =	veq.f32 v49, v22;
	vm5 =	vgt.f32 v49, v22;
	vm0 =	vmor vm6, vm1  }
0xe7: {  	v47 =	vld [tilespmem:$0xCCA0];
	vm1 =	vmand vm7, vm8;
	vm8 =	vlt.s32 v50, v48;
	vm6 =	veq.f32 v56, v54  }
0xe8: {  	v29 =	vld [tilespmem:$0xC960];
	vm7 =	vlt.s32 v57, v55;
	v10 =	vsel vm0, v14, v10;
	v11 =	vsel vm0, v15, v11  }
0xe9: {  	v31 =	vld [tilespmem:$0xC9E0];
	vm1 =	vmor vm9, vm1;
	vm0 =	vgt.f32 v16, v10;
	vm10 =	veq.f32 v16, v10  }
0xea: {  	v51 =	vld [tilespmem:$0xCC30];
	v4 =	vsel vm1, v44, v18;
	v5 =	vsel vm1, v45, v19;
	vm11 =	vlt.s32 v17, v11  }
0xeb: {  	v52 =	vld [tilespmem:$0xCAB0];
	vm12 =	veq.f32 v20, v4;
	vm13 =	vlt.s32 v21, v5;
	vm1 =	vmand vm10, vm11  }
0xec: {  	v3 =	vld [tilespmem:$0xCA30];
	vm14 =	vgt.f32 v20, v4;
	vm3 =	vmand vm12, vm13;
	vm0 =	vmor vm0, vm1  }
0xed: {  	v53 =	vld [tilespmem:$0xCCB0];
	vm2 =	vmor vm14, vm3;
	vm3 =	vmand vm15, vm8;
	v11 =	vsel vm0, v17, v11  }
0xee: {  	v58 =	vld [tilespmem:$0xCA40];
	vm0 =	vmand vm6, vm7;
	vm7 =	vgt.f32 v31, v29;
	v4 =	vsel vm2, v20, v4  }
0xef: {  	v62 =	vld [tilespmem:$0xC950];
	v5 =	vsel vm2, v21, v5;
	vm3 =	vmor vm5, vm3;
	vm9 =	veq.f32 v46, v4  }
0xf0: {  	v23 =	vld [tilespmem:$0xC9D0];
	vm10 =	vlt.s32 v47, v5;
	v12 =	vsel vm3, v49, v22;
	v8 =	vsel vm3, v50, v48  }
0xf1: {  	v59 =	vld [tilespmem:$0xCC40];
	vm13 =	vgt.f32 v46, v4;
	vm2 =	vmand vm9, vm10;
	vm11 =	veq.f32 v3, v12  }
0xf2: {  	v60 =	vld [tilespmem:$0xCAC0];
	vm12 =	vlt.s32 v51, v8;
	vm14 =	vgt.f32 v3, v12;
	vm9 =	vgt.f32 v56, v54  }
0xf3: {  	v63 =	vld [tilespmem:$0xCB50];
	vm3 =	vmand vm11, vm12;
	vm15 =	vmor vm13, vm2;
	vm0 =	vmor vm9, vm0  }
0xf4: {  	v24 =	vld [tilespmem:$0xCBD0];
	vm5 =	vmor vm14, vm3;
	v5 =	vsel vm15, v47, v5;
	v10 =	vsel vm0, v56, v54  }
0xf5: {  	v61 =	vld [tilespmem:$0xCCC0];
	v26 =	vsel vm0, v57, v55;
	vm15 =	veq.f32 v23, v62;
	v3 =	vsel vm5, v3, v12  }
0xf6: {  	v25 =	vld [tilespmem:$0xCA50];
	v8 =	vsel vm5, v51, v8;
	vm13 =	veq.f32 v58, v10;
	vm14 =	vlt.s32 v59, v26  }
0xf7: {  	v27 =	vld [tilespmem:$0xCAD0];
	vm9 =	vgt.f32 v58, v10;
	vm10 =	veq.f32 v52, v3;
	vm11 =	vlt.s32 v53, v8  }
0xf8: {  	vm8 =	vgt.f32 v52, v3;
	v3 =	vld [tilespmem:$0xCC50];
	vm1 =	vmand vm10, vm11;
	vm10 =	vgt.f32 v23, v62  }
0xf9: {  	v28 =	vld [tilespmem:$0xCCD0];
	vm12 =	vmor vm8, vm1;
	vm1 =	vmand vm13, vm14;
	vm8 =	vlt.s32 v24, v63  }
0xfa: {  	v30 =	vld [tilespmem:$0xCB60];
	vm2 =	vmand vm15, vm8;
	v8 =	vsel vm12, v53, v8;
	vm11 =	vmor vm9, vm1  }
0xfb: {  	v32 =	vld [tilespmem:$0xCBE0];
	vm12 =	vmor vm10, vm2;
	v10 =	vsel vm11, v58, v10;
	v33 =	vsel vm11, v59, v26  }
0xfc: {  	v35 =	vld [tilespmem:$0xC970];
	v4 =	vsel vm12, v23, v62;
	v6 =	vsel vm12, v24, v63;
	vm14 =	vgt.f32 v60, v10  }
0xfd: {  	v37 =	vld [tilespmem:$0xC9F0];
	vm8 =	veq.f32 v60, v10;
	vm13 =	veq.f32 v25, v4;
	vm1 =	vlt.s32 v3, v6  }
0xfe: {  	v34 =	vld [tilespmem:$0xCA60];
	vm9 =	vlt.s32 v61, v33;
	vm15 =	vgt.f32 v25, v4;
	vm0 =	vmand vm13, vm1  }
0xff: {  	v36 =	vld [tilespmem:$0xCB70];
	vm1 =	vmand vm8, vm9;
	vm13 =	veq.f32 v31, v29;
	vm0 =	vmor vm15, vm0  }
0x100: {  	v38 =	vld [tilespmem:$0xCBF0];
	vm10 =	vmor vm14, vm1;
	vm14 =	vlt.s32 v32, v30;
	v4 =	vsel vm0, v25, v4  }
0x101: {  	v39 =	vld [tilespmem:$0xCC60];
	v3 =	vsel vm0, v3, v6;
	vm2 =	vmand vm13, vm14;
	v40 =	vsel vm10, v61, v33  }
0x102: {  	vm14 =	vgt.f32 v37, v35;
	vm11 =	veq.f32 v27, v4;
	vm12 =	vlt.s32 v28, v3  }
0x103: {  	v41 =	vld [tilespmem:$0xCA70];
	vm15 =	vgt.f32 v27, v4;
	vm9 =	vmor vm7, vm2;
	vm1 =	vmand vm11, vm12  }
0x104: {  	v42 =	vld [tilespmem:$0xCC70];
	v15 =	vsel vm9, v31, v29;
	v7 =	vsel vm9, v32, v30;
	vm11 =	veq.f32 v37, v35  }
0x105: {  	v43 =	vld [tilespmem:$0xCAE0];
	vm12 =	vlt.s32 v38, v36;
	vm8 =	vmor vm15, vm1;
	vm10 =	veq.f32 v34, v15  }
0x106: {  	v44 =	vld [tilespmem:$0xCCE0];
	vm13 =	vlt.s32 v39, v7;
	vm1 =	vmand vm11, vm12;
	vm15 =	vgt.f32 v34, v15  }
0x107: {  	v45 =	vld [tilespmem:$0xCAF0];
	v3 =	vsel vm8, v28, v3;
	vm0 =	vmand vm10, vm13;
	vm1 =	vmor vm14, vm1  }
0x108: {  	v46 =	vld [tilespmem:$0xCCF0];
	v6 =	vsel vm1, v37, v35;
	vm0 =	vmor vm15, vm0;
	v10 =	vsel vm1, v38, v36  }
0x109: {  	v14 =	vsel vm0, v34, v15;
	vm6 =	veq.f32 v41, v6;
	vm7 =	vlt.s32 v42, v10  }
0x10a: {  	[tilespmem:$0xCD00] =	vst v2;
	v2 =	vsel vm0, v39, v7;
	vm8 =	vgt.f32 v41, v6;
	vm1 =	vmand vm6, vm7  }
0x10b: {  	[tilespmem:$0xCD10] =	vst v11;
	vm9 =	vgt.f32 v43, v14;
	vm10 =	veq.f32 v43, v14;
	vm0 =	vmor vm8, vm1  }
0x10c: {  	[tilespmem:$0xCD20] =	vst v5;
	vm11 =	vlt.s32 v44, v2;
	v47 =	vsel vm0, v41, v6;
	v48 =	vsel vm0, v42, v10  }
0x10d: {  	[tilespmem:$0xCD30] =	vst v8;
	vm0 =	vmand vm10, vm11;
	vm12 =	veq.f32 v45, v47;
	vm13 =	vlt.s32 v46, v48  }
0x10e: {  	[tilespmem:$0xCD40] =	vst v40;
	vm0 =	vmor vm9, vm0;
	vm14 =	vgt.f32 v45, v47;
	vm1 =	vmand vm12, vm13  }
0x10f: {  	[tilespmem:$0xCD50] =	vst v3;
	v2 =	vsel vm0, v44, v2;
	vm15 =	vmor vm14, vm1  }
0x110: {  	[tilespmem:$0xCD60] =	vst v2;
	v2 =	vsel vm15, v46, v48  }
0x111: {  	s14 =	simm.s32 $0x80;
	s23 =	simm.s32 $0xCD00;
	s29 =	rddreg [dreg:$0x6];
	[tilespmem:$0xCD70] =	vst v2  }
0x112: {  	v2 =	vor.u32 $0x1, v1;
	[tilespmem:s31], [sflag:$0x5] =	stream.indirect.gather [hbm4b:s29+s14], $0x80, s23, s14, $0xb8;
	[tilespmem:$0x14E80] =	vst v63  }
0x113: {  	_ =	swait.ge [sflag:s24], $0x4000  }
0x114: {  	[sflag:s24] =	ssyncset.done $0x0  }
0x115: {  	[sflag:s24] =	ssyncadd.s32 $0xFFFFC000  }
0x116: {  	v3 =	vld.idx.msk [tilespmem:v1+s31+$0x0], $0xffff  }
0x117: {  	v49 =	vld.idx.msk [tilespmem:v2+s31+$0x0], $0xffff  }
0x118: {  	v50 =	vor.u32 $0x800, v1  }
0x119: {  	v51 =	vor.u32 $0x801, v1;
	_ =	sdelay $0x1  }
0x11a: {  	[tilespmem:v1+s0+$0x0] =	vst.idx.msk $0xffff, v3  }
0x11b: {  	[tilespmem:v2+s0+$0x0] =	vst.idx.msk $0xffff, v49  }
0x11c: {  	v2 =	vld.idx.msk [tilespmem:v50+s31+$0x0], $0xffff  }
0x11d: {  	v3 =	vld.idx.msk [tilespmem:v51+s31+$0x0], $0xffff  }
0x11e: {  	v52 =	vor.u32 $0x1000, v1  }
0x11f: {  	v53 =	vor.u32 $0x1001, v1;
	_ =	sdelay $0x1  }
0x120: {  	[tilespmem:v50+s0+$0x0] =	vst.idx.msk $0xffff, v2  }
0x121: {  	[tilespmem:v51+s0+$0x0] =	vst.idx.msk $0xffff, v3  }
0x122: {  	v2 =	vld.idx.msk [tilespmem:v52+s31+$0x0], $0xffff  }
0x123: {  	v3 =	vld.idx.msk [tilespmem:v53+s31+$0x0], $0xffff  }
0x124: {  	v54 =	vor.u32 $0x1800, v1  }
0x125: {  	v55 =	vor.u32 $0x1801, v1;
	_ =	sdelay $0x1  }
0x126: {  	[tilespmem:v52+s0+$0x0] =	vst.idx.msk $0xffff, v2  }
0x127: {  	[tilespmem:v53+s0+$0x0] =	vst.idx.msk $0xffff, v3  }
0x128: {  	v2 =	vld.idx.msk [tilespmem:v54+s31+$0x0], $0xffff  }
0x129: {  	v3 =	vld.idx.msk [tilespmem:v55+s31+$0x0], $0xffff  }
0x12a: {  	v56 =	vor.u32 $0x2000, v1  }
0x12b: {  	v57 =	vor.u32 $0x2001, v1;
	_ =	sdelay $0x1  }
0x12c: {  	[tilespmem:v54+s0+$0x0] =	vst.idx.msk $0xffff, v2  }
0x12d: {  	[tilespmem:v55+s0+$0x0] =	vst.idx.msk $0xffff, v3  }
0x12e: {  	v2 =	vld.idx.msk [tilespmem:v56+s31+$0x0], $0xffff  }
0x12f: {  	v3 =	vld.idx.msk [tilespmem:v57+s31+$0x0], $0xffff  }
0x130: {  	v58 =	vor.u32 $0x2800, v1  }
0x131: {  	v59 =	vor.u32 $0x2801, v1;
	_ =	sdelay $0x1  }
0x132: {  	[tilespmem:v56+s0+$0x0] =	vst.idx.msk $0xffff, v2  }
0x133: {  	[tilespmem:v57+s0+$0x0] =	vst.idx.msk $0xffff, v3  }
0x134: {  	v2 =	vld.idx.msk [tilespmem:v58+s31+$0x0], $0xffff  }
0x135: {  	v3 =	vld.idx.msk [tilespmem:v59+s31+$0x0], $0xffff  }
0x136: {  	v60 =	vor.u32 $0x3000, v1  }
0x137: {  	v61 =	vor.u32 $0x3001, v1;
	_ =	sdelay $0x1  }
0x138: {  	[tilespmem:v58+s0+$0x0] =	vst.idx.msk $0xffff, v2  }
0x139: {  	[tilespmem:v59+s0+$0x0] =	vst.idx.msk $0xffff, v3  }
0x13a: {  	v2 =	vld.idx.msk [tilespmem:v60+s31+$0x0], $0xffff  }
0x13b: {  	v3 =	vld.idx.msk [tilespmem:v61+s31+$0x0], $0xffff  }
0x13c: {  	v62 =	vor.u32 $0x3800, v1  }
0x13d: {  	v63 =	vor.u32 $0x3801, v1;
	_ =	sdelay $0x1  }
0x13e: {  	[tilespmem:v60+s0+$0x0] =	vst.idx.msk $0xffff, v2  }
0x13f: {  	[tilespmem:v61+s0+$0x0] =	vst.idx.msk $0xffff, v3  }
0x140: {  	v2 =	vld.idx.msk [tilespmem:v62+s31+$0x0], $0xffff  }
0x141: {  	v3 =	vld.idx.msk [tilespmem:v63+s31+$0x0], $0xffff;
	_ =	sdelay $0x3  }
0x142: {  	[tilespmem:v62+s0+$0x0] =	vst.idx.msk $0xffff, v2  }
.Ltmp8:
0x143: {  	s30 =	rddreg [dreg:$0x7];
	[tilespmem:v63+s0+$0x0] =	vst.idx.msk $0xffff, v3;
	(pc) =	sbr.rel .LBB2_12-.Ltmp8, $4  }
0x144: {  	[hbm4b:s30+s2] =	stream.linear.scatter [tilespmem:s0], [sflag:$0x5], $0x4000, $0x38;
	[tilespmem:$0x14E80] =	vst v63  }
0x145: {  	_ =	swait.ge [sflag:s24], $0x4000  }
0x146: {  	[sflag:s24] =	ssyncset.done $0x0  }
0x147: {  	[sflag:s24] =	ssyncadd.s32 $0xFFFFC000  }
.LBB2_13:
0x148: {  	_ =	sfence.sel $0x180000  }
0x149: {  	[bflag:$0x0] =	sbarrier.arrive $0xFFFF  }
0x14a: {  	_ =	strace $0x90000047  }
0x14b: {  	s0 =	stileid.u32;
	[bflag:$0x2] =	sbarrier.arrive $0xFFFF  }
0x14c: {  	p0 =	sne.s32 s0, $0x0;
	s0 =	rddreg [dreg:$0x5]  }
0x14d: {  	s0 =	sadd.s32 @!p0 $0x100000, s0  }
0x14e: {  	[sflag:s0] =	ssyncadd.tile.s32 @!p0 $0x1;
	_ =	shalt  }
.Lfunc_end2:
_tile_overlayer_lowered:
.L_overlay_start_2:
0x14f: {  	(tag) =	ssettag $0x2  }
0x150: {  	s0 =	rddreg [dreg:$0x0];
	s2 =	stileid.u32  }
0x151: {  	s1 =	rddreg [dreg:$0x1];
	p0 =	sne.s32 s2, $0x0  }
0x152: {  	s3 =	rddreg [dreg:$0x2];
	[bflag:$0x3] =	sbarrier.arrive $0xFFFF;
	s2 =	simm.s32 @!p0 $0x1C05  }
0x153: {  	[timem:s3], [sflag:s2] =	dma.local @!p0 [hbm:s0], s1  }
0x154: {  	s0 =	simm.s32 @!p0 $0x5  }
0x155: {  	_ =	swait.ge @!p0 [sflag:s0], s1  }
0x156: {  	s1 =	ssub.s32 @!p0 $0x0, s1;
	[sflag:s0] =	ssyncset.done @!p0 $0x0  }
0x157: {  	[sflag:s0] =	ssyncadd.s32 @!p0 s1  }
0x158: {  	[bflag:$0x3] =	sbarrier.arrive $0xFFFF  }
0x159: {  	_ =	shalt  }

</sc_bundles>
